<compile_context>
chip_gen: v7x
topology: tpu7x:2x2x1
jax: 0.10.2.dev20260603
libtpu: 0.0.44.dev20260713+nightly
codegen_flags: <defaults>
</compile_context>

<pallas_src>
import jax
import jax.numpy as jnp
import numpy as np
from jax import lax
from jax.experimental import pallas as pl
from jax.experimental.pallas import tpu as pltpu
from jax.experimental.pallas import tpu_sc as plsc

KTOP = 128
L = 16
NC = 2
NS = 16
NWORK = NC * NS
UNROLL = 16
NHIST = 2

MIN32 = np.int32(-2**31)


def _to_ukey(v):
    u = plsc.bitcast(v, jnp.int32)
    return jnp.where(u < 0, ~u, u ^ MIN32)


def _from_ukey(k):
    u = jnp.where(k < 0, k ^ MIN32, ~k)
    return plsc.bitcast(u, jnp.float32)


def _body(x_hbm, out_hbm, xbuf, hist, obuf):
    n = x_hbm.shape[1]
    groups_per_batch = x_hbm.shape[2] // L
    gpw = (x_hbm.shape[0] * groups_per_batch) // NWORK

    wid = lax.axis_index("s") * NC + lax.axis_index("c")
    lanes = lax.iota(jnp.int32, L)
    ones = jnp.ones((L,), jnp.int32)
    zeros = jnp.zeros((L,), jnp.int32)

    @plsc.parallel_loop(0, NHIST * 256, unroll=8)
    def _zero0(j):
        hist[j] = zeros

    def scan_hist(r):
        @plsc.parallel_loop(0, 256, unroll=4,
                            carry=(zeros, zeros, zeros, zeros, zeros))
        def scan(i, carry):
            acc, bsel, before, hcross, found = carry
            j = 255 - i
            h = hist[j]
            hist[j] = zeros
            for hh in range(1, NHIST):
                h = h + hist[hh * 256 + j]
                hist[hh * 256 + j] = zeros
            acc_new = acc + h
            crossed = (found == 0) & (acc_new >= r)
            jv = jnp.full((L,), 0, jnp.int32) + j
            bsel = jnp.where(crossed, jv, bsel)
            before = jnp.where(crossed, acc, before)
            hcross = jnp.where(crossed, h, hcross)
            found = found | crossed.astype(jnp.int32)
            return acc_new, bsel, before, hcross, found

        _, bsel, before, hcross, _ = scan
        return bsel, before, hcross

    def group_body(t, _):
        gid = wid * gpw + t
        b = gid // groups_per_batch
        c0 = (gid - b * groups_per_batch) * L

        pltpu.sync_copy(x_hbm.at[b, :, pl.ds(c0, L)], xbuf)

        @plsc.parallel_loop(0, n, unroll=UNROLL)
        def _pass1(i):
            key = _to_ukey(xbuf[i])
            xbuf[i] = plsc.bitcast(key, jnp.float32)
            bucket = lax.shift_right_logical(key, 24)
            plsc.addupdate_scatter(
                hist, [(i & (NHIST - 1)) * 256 + bucket, lanes], ones)

        r = zeros + KTOP
        bsel, before, hcross = scan_hist(r)
        r = r - before
        prefix = bsel

        for level in (2, 3, 4):
            sh = 32 - 8 * level

            @plsc.parallel_loop(0, n, unroll=UNROLL)
            def _passl(i, sh=sh, prefix=prefix):
                key = plsc.bitcast(xbuf[i], jnp.int32)
                part = lax.shift_right_logical(key, sh + 8) == prefix
                bucket = jnp.bitwise_and(
                    lax.shift_right_logical(key, sh), jnp.int32(0xFF))
                plsc.addupdate_scatter(
                    hist, [(i & (NHIST - 1)) * 256 + bucket, lanes], ones,
                    mask=part)

            bsel, before, hcross = scan_hist(r)
            r = r - before
            prefix = jnp.bitwise_or(lax.shift_left(prefix, 8), bsel)

        thresh = prefix
        thresh_s = thresh ^ MIN32
        e_skip = hcross - r

        @plsc.parallel_loop(0, n, unroll=UNROLL, carry=(zeros, zeros))
        def compact(i, carry):
            cnt, eqseen = carry
            key = plsc.bitcast(xbuf[i], jnp.int32)
            gt = (key ^ MIN32) > thresh_s
            eq = key == thresh
            sel = gt | (eq & (eqseen >= e_skip))
            val = _from_ukey(key)
            plsc.store_scatter(obuf, [cnt, lanes], val, mask=sel)
            return cnt + sel.astype(jnp.int32), eqseen + eq.astype(jnp.int32)

        pltpu.sync_copy(obuf, out_hbm.at[b, :, pl.ds(c0, L)])
        return 0

    lax.fori_loop(0, gpw, group_body, 0)


@jax.jit
def kernel(x):
    batch, n, c = x.shape
    mesh = plsc.VectorSubcoreMesh(
        core_axis_name="c", subcore_axis_name="s", num_cores=NC, num_subcores=NS)
    run = pl.kernel(
        _body,
        out_type=jax.ShapeDtypeStruct((batch, KTOP, c), jnp.float32),
        mesh=mesh,
        compiler_params=pltpu.CompilerParams(
            use_tc_tiling_on_sc=False, needs_layout_passes=False),
        scratch_types=[
            pltpu.VMEM((n, L), jnp.float32),
            pltpu.VMEM((NHIST * 256, L), jnp.int32),
            pltpu.VMEM((KTOP, L), jnp.float32),
        ],
    )
    return run(x)

# --- scband reference (transcript-rebuilt; emitter-appended) ---
"""Pipeline reference for scband-k-max-pooling1d-9740985827591 (READ-ONLY COPY).

The authoritative reference and input builder live on the scoring server;
editing this copy changes nothing except your own understanding.
"""

import jax, jax.numpy as jnp
import numpy as np

KTOP = 128

def setup_inputs(seed: int = 0) -> dict:
    key = jax.random.key(seed)
    x = jax.random.normal(key, (4, 4096, 1024), dtype=jnp.float32)
    return {"x": x}

def reference(x):
    # k-max pooling along the sequence axis (axis=1), preserving original temporal order.
    # Mirrors: x[arange(B)[:,None,None], sort(argsort(x,axis=1)[:, -ktop:, :], axis=1), arange(C)[None,None,:]]
    idx = jnp.argsort(x, axis=1)[:, -KTOP:, :]          # indices of top-k values per (batch, channel)
    idx = jnp.sort(idx, axis=1)                          # restore original order along sequence
    out = jnp.take_along_axis(x, idx, axis=1)            # gather -> [B, ktop, C]
    return out

if __name__ == "__main__":
    import jax
    _d = setup_inputs()
    print(jax.jit(kernel)(*tuple(_d.values())))

</pallas_src>

<mosaic_0001>
#map = affine_map<(d0, d1) -> (0, 0, 0)>
module attributes {stable_mosaic.version = 14 : i64} {
  func.func @_body(%arg0: i32, %arg1: i32, %arg2: memref<4x4096x1024xf32, #tpu.memory_space<hbm>>, %arg3: memref<4x128x1024xf32, #tpu.memory_space<hbm>>, %arg4: memref<4096x16xf32, #tpu.memory_space<vmem>>, %arg5: memref<512x16xi32, #tpu.memory_space<vmem>>, %arg6: memref<128x16xf32, #tpu.memory_space<vmem>>) attributes {dimension_semantics = [#tpu.dimension_semantics<core_parallel>, #tpu.dimension_semantics<subcore_parallel>], iteration_bounds = array<i64: 2, 16>, scalar_prefetch = 0 : i64, scratch_operands = 3 : i64, tpu.core_type = #tpu.core_type<sc_vector_subcore>, window_params = [{transform_indices = #map}, {transform_indices = #map}]} {
    %mul3A = arith.constant 2 : i32
    %mul3A_0 = arith.muli %arg1, %mul3A : i32
    %add3A = arith.addi %mul3A_0, %arg0 : i32
    %iota3A = tpu.iota {dimensions = array<i32: 0>} : vector<16xi32>
    %broadcast_in_dim3A = arith.constant 1 : i32
    %broadcast_in_dim3A_1 = vector.broadcast %broadcast_in_dim3A : i32 to vector<16xi32>
    %broadcast_in_dim3A_2 = arith.constant 0 : i32
    %broadcast_in_dim3A_3 = vector.broadcast %broadcast_in_dim3A_2 : i32 to vector<16xi32>
    %parallel_loop3A = arith.constant 0 : i32
    %parallel_loop3A_4 = arith.constant 512 : i32
    %parallel_loop3A_5 = arith.constant 1 : i32
    scf.for %parallel_loop3A_12 = %parallel_loop3A to %parallel_loop3A_4 step %parallel_loop3A_5  : i32 {
      %parallel_loop3A_13 = arith.index_cast %parallel_loop3A_12 : i32 to index
      %parallel_loop3A_14 = arith.constant 0 : index
      %parallel_loop3A_15 = tpu.vector_load %arg5[%parallel_loop3A_13, %parallel_loop3A_14] {strides = array<i32>} : memref<512x16xi32, #tpu.memory_space<vmem>>, vector<16xi32>,
      tpu.vector_store %arg5[%parallel_loop3A_13, %parallel_loop3A_14], %broadcast_in_dim3A_3 {strides = array<i32>} : memref<512x16xi32, #tpu.memory_space<vmem>>, vector<16xi32>,
    } {sc.loop_unroll_factor = 8 : i64, sc.parallel_access}
    %scan3A = arith.constant 0 : i32
    %scan3A_6 = arith.constant 0 : i32
    %scan3A_7 = arith.constant 8 : i32
    %scan3A_8 = arith.addi %scan3A_6, %scan3A_7 : i32
    %scan3A_9 = arith.constant 1 : i32
    %scan3A_10 = scf.for %scan3A_12 = %scan3A_6 to %scan3A_8 step %scan3A_9 iter_args(%scan3A_13 = %scan3A) -> (i32)  : i32 {
      %mul3A_14 = arith.constant 8 : i32
      %mul3A_15 = arith.muli %add3A, %mul3A_14 : i32
      %add3A_16 = arith.addi %mul3A_15, %scan3A_12 : i32
      %jit3A = arith.constant 64 : i32
      %div3A = arith.divsi %add3A_16, %jit3A : i32
      %sign3A = arith.constant 0 : i32
      %sign3A_17 = arith.cmpi sgt, %add3A_16, %sign3A : i32
      %sign3A_18 = arith.extui %sign3A_17 : i1 to i32
      %sign3A_19 = arith.constant 0 : i32
      %sign3A_20 = arith.cmpi slt, %add3A_16, %sign3A_19 : i32
      %sign3A_21 = arith.extui %sign3A_20 : i1 to i32
      %sign3A_22 = arith.subi %sign3A_18, %sign3A_21 : i32
      %sign3A_23 = arith.constant 0 : i32
      %sign3A_24 = arith.cmpi sgt, %jit3A, %sign3A_23 : i32
      %sign3A_25 = arith.extui %sign3A_24 : i1 to i32
      %sign3A_26 = arith.constant 0 : i32
      %sign3A_27 = arith.cmpi slt, %jit3A, %sign3A_26 : i32
      %sign3A_28 = arith.extui %sign3A_27 : i1 to i32
      %sign3A_29 = arith.subi %sign3A_25, %sign3A_28 : i32
      %ne3A = arith.cmpi ne, %sign3A_22, %sign3A_29 : i32
      %rem3A = arith.remsi %add3A_16, %jit3A : i32
      %ne3A_30 = arith.constant 0 : i32
      %ne3A_31 = arith.cmpi ne, %rem3A, %ne3A_30 : i32
      %and3A = arith.andi %ne3A, %ne3A_31 : i1
      %sub3A = arith.constant 1 : i32
      %sub3A_32 = arith.subi %div3A, %sub3A : i32
      %select_n3A = arith.select %and3A, %sub3A_32, %div3A : i32
      %mul3A_33 = arith.constant 64 : i32
      %mul3A_34 = arith.muli %select_n3A, %mul3A_33 : i32
      %sub3A_35 = arith.subi %add3A_16, %mul3A_34 : i32
      %mul3A_36 = arith.constant 16 : i32
      %mul3A_37 = arith.muli %sub3A_35, %mul3A_36 : i32
      "tpu.region"() ({
        %run_scoped3A = tpu.sem_alloc : memref<!tpu.dma_semaphore, #tpu.memory_space<semaphore_mem>>
        %dma_start3A = arith.constant 0 : i32
        %dma_start3A_91 = tpu.memref_slice %arg2[%select_n3A, %dma_start3A, %mul3A_37] : memref<4x4096x1024xf32, #tpu.memory_space<hbm>> -> memref<1x4096x16xf32, #tpu.memory_space<hbm>>
        %dma_start3A_92 = tpu.memref_squeeze %dma_start3A_91 : memref<1x4096x16xf32, #tpu.memory_space<hbm>> -> memref<4096x16xf32, #tpu.memory_space<hbm>>
        %dma_start3A_93 = arith.constant 0 : i32
        %dma_start3A_94 = tpu.memref_slice %arg2[%select_n3A, %dma_start3A_93, %mul3A_37] : memref<4x4096x1024xf32, #tpu.memory_space<hbm>> -> memref<1x4096x16xf32, #tpu.memory_space<hbm>>
        %dma_start3A_95 = tpu.memref_squeeze %dma_start3A_94 : memref<1x4096x16xf32, #tpu.memory_space<hbm>> -> memref<4096x16xf32, #tpu.memory_space<hbm>>
        tpu.enqueue_dma source(%dma_start3A_95 : memref<4096x16xf32, #tpu.memory_space<hbm>>) target(%arg4 : memref<4096x16xf32, #tpu.memory_space<vmem>>) target_semaphore(%run_scoped3A : memref<!tpu.dma_semaphore, #tpu.memory_space<semaphore_mem>>)
        %dma_wait3A = arith.constant 0 : i32
        %dma_wait3A_96 = tpu.memref_slice %arg2[%select_n3A, %dma_wait3A, %mul3A_37] : memref<4x4096x1024xf32, #tpu.memory_space<hbm>> -> memref<1x4096x16xf32, #tpu.memory_space<hbm>>
        %dma_wait3A_97 = tpu.memref_squeeze %dma_wait3A_96 : memref<1x4096x16xf32, #tpu.memory_space<hbm>> -> memref<4096x16xf32, #tpu.memory_space<hbm>>
        %dma_wait3A_98 = arith.constant 0 : i32
        %dma_wait3A_99 = tpu.memref_slice %arg2[%select_n3A, %dma_wait3A_98, %mul3A_37] : memref<4x4096x1024xf32, #tpu.memory_space<hbm>> -> memref<1x4096x16xf32, #tpu.memory_space<hbm>>
        %dma_wait3A_100 = tpu.memref_squeeze %dma_wait3A_99 : memref<1x4096x16xf32, #tpu.memory_space<hbm>> -> memref<4096x16xf32, #tpu.memory_space<hbm>>
        tpu.wait_dma2 semaphore(%run_scoped3A : memref<!tpu.dma_semaphore, #tpu.memory_space<semaphore_mem>>) src(%dma_wait3A_100 : memref<4096x16xf32, #tpu.memory_space<hbm>>) dst(%arg4 : memref<4096x16xf32, #tpu.memory_space<vmem>>)
        tpu.yield
      }) : () -> ()
      %parallel_loop3A_38 = arith.constant 0 : i32
      %parallel_loop3A_39 = arith.constant 4096 : i32
      %parallel_loop3A_40 = arith.constant 1 : i32
      scf.for %parallel_loop3A_91 = %parallel_loop3A_38 to %parallel_loop3A_39 step %parallel_loop3A_40  : i32 {
        %parallel_loop3A_92 = arith.index_cast %parallel_loop3A_91 : i32 to index
        %parallel_loop3A_93 = arith.constant 0 : index
        %parallel_loop3A_94 = tpu.vector_load %arg4[%parallel_loop3A_92, %parallel_loop3A_93] {strides = array<i32>} : memref<4096x16xf32, #tpu.memory_space<vmem>>, vector<16xf32>,
        %parallel_loop3A_95 = vector.bitcast %parallel_loop3A_94 : vector<16xf32> to vector<16xi32>
        %parallel_loop3A_96 = arith.constant 0 : i32
        %parallel_loop3A_97 = vector.broadcast %parallel_loop3A_96 : i32 to vector<16xi32>
        %parallel_loop3A_98 = arith.cmpi slt, %parallel_loop3A_95, %parallel_loop3A_97 : vector<16xi32>
        %parallel_loop3A_99 = arith.constant dense<-1> : vector<16xi32>
        %parallel_loop3A_100 = arith.xori %parallel_loop3A_95, %parallel_loop3A_99 : vector<16xi32>
        %parallel_loop3A_101 = arith.constant -2147483648 : i32
        %parallel_loop3A_102 = vector.broadcast %parallel_loop3A_101 : i32 to vector<16xi32>
        %parallel_loop3A_103 = arith.xori %parallel_loop3A_95, %parallel_loop3A_102 : vector<16xi32>
        %parallel_loop3A_104 = arith.select %parallel_loop3A_98, %parallel_loop3A_100, %parallel_loop3A_103 : vector<16xi1>, vector<16xi32>
        %parallel_loop3A_105 = vector.bitcast %parallel_loop3A_104 : vector<16xi32> to vector<16xf32>
        %parallel_loop3A_106 = arith.index_cast %parallel_loop3A_91 : i32 to index
        %parallel_loop3A_107 = arith.constant 0 : index
        %parallel_loop3A_108 = tpu.vector_load %arg4[%parallel_loop3A_106, %parallel_loop3A_107] {strides = array<i32>} : memref<4096x16xf32, #tpu.memory_space<vmem>>, vector<16xf32>,
        tpu.vector_store %arg4[%parallel_loop3A_106, %parallel_loop3A_107], %parallel_loop3A_105 {strides = array<i32>} : memref<4096x16xf32, #tpu.memory_space<vmem>>, vector<16xf32>,
        %parallel_loop3A_109 = arith.constant 24 : i32
        %parallel_loop3A_110 = vector.broadcast %parallel_loop3A_109 : i32 to vector<16xi32>
        %parallel_loop3A_111 = arith.shrui %parallel_loop3A_104, %parallel_loop3A_110 : vector<16xi32>
        %parallel_loop3A_112 = arith.constant 1 : i32
        %parallel_loop3A_113 = arith.andi %parallel_loop3A_91, %parallel_loop3A_112 : i32
        %parallel_loop3A_114 = arith.constant 256 : i32
        %parallel_loop3A_115 = arith.muli %parallel_loop3A_113, %parallel_loop3A_114 : i32
        %parallel_loop3A_116 = vector.broadcast %parallel_loop3A_115 : i32 to vector<16xi32>
        %parallel_loop3A_117 = arith.addi %parallel_loop3A_116, %parallel_loop3A_111 : vector<16xi32>
        tpu.vector_store_idx %arg5[%parallel_loop3A_117, %iota3A], %broadcast_in_dim3A_1 {add = true} : memref<512x16xi32, #tpu.memory_space<vmem>>[vector<16xi32>, vector<16xi32>], vector<16xi32>,
      } {sc.loop_unroll_factor = 16 : i64, sc.parallel_access}
      %add3A_41 = arith.constant 128 : i32
      %add3A_42 = vector.broadcast %add3A_41 : i32 to vector<16xi32>
      %add3A_43 = arith.addi %broadcast_in_dim3A_3, %add3A_42 : vector<16xi32>
      %parallel_loop3A_44 = arith.constant 0 : i32
      %parallel_loop3A_45 = arith.constant 256 : i32
      %parallel_loop3A_46 = arith.constant 1 : i32
      %parallel_loop3A_47:5 = scf.for %parallel_loop3A_91 = %parallel_loop3A_44 to %parallel_loop3A_45 step %parallel_loop3A_46 iter_args(%parallel_loop3A_92 = %broadcast_in_dim3A_3, %parallel_loop3A_93 = %broadcast_in_dim3A_3, %parallel_loop3A_94 = %broadcast_in_dim3A_3, %parallel_loop3A_95 = %broadcast_in_dim3A_3, %parallel_loop3A_96 = %broadcast_in_dim3A_3) -> (vector<16xi32>, vector<16xi32>, vector<16xi32>, vector<16xi32>, vector<16xi32>)  : i32 {
        %parallel_loop3A_97 = arith.constant 255 : i32
        %parallel_loop3A_98 = arith.subi %parallel_loop3A_97, %parallel_loop3A_91 : i32
        %parallel_loop3A_99 = arith.index_cast %parallel_loop3A_98 : i32 to index
        %parallel_loop3A_100 = arith.constant 0 : index
        %parallel_loop3A_101 = tpu.vector_load %arg5[%parallel_loop3A_99, %parallel_loop3A_100] {strides = array<i32>} : memref<512x16xi32, #tpu.memory_space<vmem>>, vector<16xi32>,
        %parallel_loop3A_102 = arith.index_cast %parallel_loop3A_98 : i32 to index
        %parallel_loop3A_103 = arith.constant 0 : index
        %parallel_loop3A_104 = tpu.vector_load %arg5[%parallel_loop3A_102, %parallel_loop3A_103] {strides = array<i32>} : memref<512x16xi32, #tpu.memory_space<vmem>>, vector<16xi32>,
        tpu.vector_store %arg5[%parallel_loop3A_102, %parallel_loop3A_103], %broadcast_in_dim3A_3 {strides = array<i32>} : memref<512x16xi32, #tpu.memory_space<vmem>>, vector<16xi32>,
        %parallel_loop3A_105 = arith.constant 256 : i32
        %parallel_loop3A_106 = arith.addi %parallel_loop3A_105, %parallel_loop3A_98 : i32
        %parallel_loop3A_107 = arith.index_cast %parallel_loop3A_106 : i32 to index
        %parallel_loop3A_108 = arith.constant 0 : index
        %parallel_loop3A_109 = tpu.vector_load %arg5[%parallel_loop3A_107, %parallel_loop3A_108] {strides = array<i32>} : memref<512x16xi32, #tpu.memory_space<vmem>>, vector<16xi32>,
        %parallel_loop3A_110 = arith.addi %parallel_loop3A_101, %parallel_loop3A_109 : vector<16xi32>
        %parallel_loop3A_111 = arith.constant 256 : i32
        %parallel_loop3A_112 = arith.addi %parallel_loop3A_111, %parallel_loop3A_98 : i32
        %parallel_loop3A_113 = arith.index_cast %parallel_loop3A_112 : i32 to index
        %parallel_loop3A_114 = arith.constant 0 : index
        %parallel_loop3A_115 = tpu.vector_load %arg5[%parallel_loop3A_113, %parallel_loop3A_114] {strides = array<i32>} : memref<512x16xi32, #tpu.memory_space<vmem>>, vector<16xi32>,
        tpu.vector_store %arg5[%parallel_loop3A_113, %parallel_loop3A_114], %broadcast_in_dim3A_3 {strides = array<i32>} : memref<512x16xi32, #tpu.memory_space<vmem>>, vector<16xi32>,
        %parallel_loop3A_116 = arith.addi %parallel_loop3A_92, %parallel_loop3A_110 : vector<16xi32>
        %parallel_loop3A_117 = arith.constant 0 : i32
        %parallel_loop3A_118 = vector.broadcast %parallel_loop3A_117 : i32 to vector<16xi32>
        %parallel_loop3A_119 = arith.cmpi eq, %parallel_loop3A_96, %parallel_loop3A_118 : vector<16xi32>
        %parallel_loop3A_120 = arith.cmpi sge, %parallel_loop3A_116, %add3A_43 : vector<16xi32>
        %parallel_loop3A_121 = arith.andi %parallel_loop3A_119, %parallel_loop3A_120 : vector<16xi1>
        %parallel_loop3A_122 = arith.constant 0 : i32
        %parallel_loop3A_123 = vector.broadcast %parallel_loop3A_122 : i32 to vector<16xi32>
        %parallel_loop3A_124 = vector.broadcast %parallel_loop3A_98 : i32 to vector<16xi32>
        %parallel_loop3A_125 = arith.addi %parallel_loop3A_123, %parallel_loop3A_124 : vector<16xi32>
        %parallel_loop3A_126 = arith.select %parallel_loop3A_121, %parallel_loop3A_125, %parallel_loop3A_93 : vector<16xi1>, vector<16xi32>
        %parallel_loop3A_127 = arith.select %parallel_loop3A_121, %parallel_loop3A_92, %parallel_loop3A_94 : vector<16xi1>, vector<16xi32>
        %parallel_loop3A_128 = arith.select %parallel_loop3A_121, %parallel_loop3A_110, %parallel_loop3A_95 : vector<16xi1>, vector<16xi32>
        %parallel_loop3A_129 = arith.extui %parallel_loop3A_121 : vector<16xi1> to vector<16xi32>
        %parallel_loop3A_130 = arith.ori %parallel_loop3A_96, %parallel_loop3A_129 : vector<16xi32>
        scf.yield %parallel_loop3A_116, %parallel_loop3A_126, %parallel_loop3A_127, %parallel_loop3A_128, %parallel_loop3A_130 : vector<16xi32>, vector<16xi32>, vector<16xi32>, vector<16xi32>, vector<16xi32>
      } {sc.loop_unroll_factor = 4 : i64, sc.parallel_access}
      %sub3A_48 = arith.subi %add3A_43, %parallel_loop3A_47#2 : vector<16xi32>
      %parallel_loop3A_49 = arith.constant 0 : i32
      %parallel_loop3A_50 = arith.constant 4096 : i32
      %parallel_loop3A_51 = arith.constant 1 : i32
      scf.for %parallel_loop3A_91 = %parallel_loop3A_49 to %parallel_loop3A_50 step %parallel_loop3A_51  : i32 {
        %parallel_loop3A_92 = arith.index_cast %parallel_loop3A_91 : i32 to index
        %parallel_loop3A_93 = arith.constant 0 : index
        %parallel_loop3A_94 = tpu.vector_load %arg4[%parallel_loop3A_92, %parallel_loop3A_93] {strides = array<i32>} : memref<4096x16xf32, #tpu.memory_space<vmem>>, vector<16xf32>,
        %parallel_loop3A_95 = vector.bitcast %parallel_loop3A_94 : vector<16xf32> to vector<16xi32>
        %parallel_loop3A_96 = arith.constant 24 : i32
        %parallel_loop3A_97 = vector.broadcast %parallel_loop3A_96 : i32 to vector<16xi32>
        %parallel_loop3A_98 = arith.shrui %parallel_loop3A_95, %parallel_loop3A_97 : vector<16xi32>
        %parallel_loop3A_99 = arith.cmpi eq, %parallel_loop3A_98, %parallel_loop3A_47#1 : vector<16xi32>
        %parallel_loop3A_100 = arith.constant 16 : i32
        %parallel_loop3A_101 = vector.broadcast %parallel_loop3A_100 : i32 to vector<16xi32>
        %parallel_loop3A_102 = arith.shrui %parallel_loop3A_95, %parallel_loop3A_101 : vector<16xi32>
        %parallel_loop3A_103 = arith.constant 255 : i32
        %parallel_loop3A_104 = vector.broadcast %parallel_loop3A_103 : i32 to vector<16xi32>
        %parallel_loop3A_105 = arith.andi %parallel_loop3A_102, %parallel_loop3A_104 : vector<16xi32>
        %parallel_loop3A_106 = arith.constant 1 : i32
        %parallel_loop3A_107 = arith.andi %parallel_loop3A_91, %parallel_loop3A_106 : i32
        %parallel_loop3A_108 = arith.constant 256 : i32
        %parallel_loop3A_109 = arith.muli %parallel_loop3A_107, %parallel_loop3A_108 : i32
        %parallel_loop3A_110 = vector.broadcast %parallel_loop3A_109 : i32 to vector<16xi32>
        %parallel_loop3A_111 = arith.addi %parallel_loop3A_110, %parallel_loop3A_105 : vector<16xi32>
        tpu.vector_store_idx %arg5[%parallel_loop3A_111, %iota3A], %broadcast_in_dim3A_1 masked %parallel_loop3A_99 {add = true} : memref<512x16xi32, #tpu.memory_space<vmem>>[vector<16xi32>, vector<16xi32>], vector<16xi32>, vector<16xi1>
      } {sc.loop_unroll_factor = 16 : i64, sc.parallel_access}
      %parallel_loop3A_52 = arith.constant 0 : i32
      %parallel_loop3A_53 = arith.constant 256 : i32
      %parallel_loop3A_54 = arith.constant 1 : i32
      %parallel_loop3A_55:5 = scf.for %parallel_loop3A_91 = %parallel_loop3A_52 to %parallel_loop3A_53 step %parallel_loop3A_54 iter_args(%parallel_loop3A_92 = %broadcast_in_dim3A_3, %parallel_loop3A_93 = %broadcast_in_dim3A_3, %parallel_loop3A_94 = %broadcast_in_dim3A_3, %parallel_loop3A_95 = %broadcast_in_dim3A_3, %parallel_loop3A_96 = %broadcast_in_dim3A_3) -> (vector<16xi32>, vector<16xi32>, vector<16xi32>, vector<16xi32>, vector<16xi32>)  : i32 {
        %parallel_loop3A_97 = arith.constant 255 : i32
        %parallel_loop3A_98 = arith.subi %parallel_loop3A_97, %parallel_loop3A_91 : i32
        %parallel_loop3A_99 = arith.index_cast %parallel_loop3A_98 : i32 to index
        %parallel_loop3A_100 = arith.constant 0 : index
        %parallel_loop3A_101 = tpu.vector_load %arg5[%parallel_loop3A_99, %parallel_loop3A_100] {strides = array<i32>} : memref<512x16xi32, #tpu.memory_space<vmem>>, vector<16xi32>,
        %parallel_loop3A_102 = arith.index_cast %parallel_loop3A_98 : i32 to index
        %parallel_loop3A_103 = arith.constant 0 : index
        %parallel_loop3A_104 = tpu.vector_load %arg5[%parallel_loop3A_102, %parallel_loop3A_103] {strides = array<i32>} : memref<512x16xi32, #tpu.memory_space<vmem>>, vector<16xi32>,
        tpu.vector_store %arg5[%parallel_loop3A_102, %parallel_loop3A_103], %broadcast_in_dim3A_3 {strides = array<i32>} : memref<512x16xi32, #tpu.memory_space<vmem>>, vector<16xi32>,
        %parallel_loop3A_105 = arith.constant 256 : i32
        %parallel_loop3A_106 = arith.addi %parallel_loop3A_105, %parallel_loop3A_98 : i32
        %parallel_loop3A_107 = arith.index_cast %parallel_loop3A_106 : i32 to index
        %parallel_loop3A_108 = arith.constant 0 : index
        %parallel_loop3A_109 = tpu.vector_load %arg5[%parallel_loop3A_107, %parallel_loop3A_108] {strides = array<i32>} : memref<512x16xi32, #tpu.memory_space<vmem>>, vector<16xi32>,
        %parallel_loop3A_110 = arith.addi %parallel_loop3A_101, %parallel_loop3A_109 : vector<16xi32>
        %parallel_loop3A_111 = arith.constant 256 : i32
        %parallel_loop3A_112 = arith.addi %parallel_loop3A_111, %parallel_loop3A_98 : i32
        %parallel_loop3A_113 = arith.index_cast %parallel_loop3A_112 : i32 to index
        %parallel_loop3A_114 = arith.constant 0 : index
        %parallel_loop3A_115 = tpu.vector_load %arg5[%parallel_loop3A_113, %parallel_loop3A_114] {strides = array<i32>} : memref<512x16xi32, #tpu.memory_space<vmem>>, vector<16xi32>,
        tpu.vector_store %arg5[%parallel_loop3A_113, %parallel_loop3A_114], %broadcast_in_dim3A_3 {strides = array<i32>} : memref<512x16xi32, #tpu.memory_space<vmem>>, vector<16xi32>,
        %parallel_loop3A_116 = arith.addi %parallel_loop3A_92, %parallel_loop3A_110 : vector<16xi32>
        %parallel_loop3A_117 = arith.constant 0 : i32
        %parallel_loop3A_118 = vector.broadcast %parallel_loop3A_117 : i32 to vector<16xi32>
        %parallel_loop3A_119 = arith.cmpi eq, %parallel_loop3A_96, %parallel_loop3A_118 : vector<16xi32>
        %parallel_loop3A_120 = arith.cmpi sge, %parallel_loop3A_116, %sub3A_48 : vector<16xi32>
        %parallel_loop3A_121 = arith.andi %parallel_loop3A_119, %parallel_loop3A_120 : vector<16xi1>
        %parallel_loop3A_122 = arith.constant 0 : i32
        %parallel_loop3A_123 = vector.broadcast %parallel_loop3A_122 : i32 to vector<16xi32>
        %parallel_loop3A_124 = vector.broadcast %parallel_loop3A_98 : i32 to vector<16xi32>
        %parallel_loop3A_125 = arith.addi %parallel_loop3A_123, %parallel_loop3A_124 : vector<16xi32>
        %parallel_loop3A_126 = arith.select %parallel_loop3A_121, %parallel_loop3A_125, %parallel_loop3A_93 : vector<16xi1>, vector<16xi32>
        %parallel_loop3A_127 = arith.select %parallel_loop3A_121, %parallel_loop3A_92, %parallel_loop3A_94 : vector<16xi1>, vector<16xi32>
        %parallel_loop3A_128 = arith.select %parallel_loop3A_121, %parallel_loop3A_110, %parallel_loop3A_95 : vector<16xi1>, vector<16xi32>
        %parallel_loop3A_129 = arith.extui %parallel_loop3A_121 : vector<16xi1> to vector<16xi32>
        %parallel_loop3A_130 = arith.ori %parallel_loop3A_96, %parallel_loop3A_129 : vector<16xi32>
        scf.yield %parallel_loop3A_116, %parallel_loop3A_126, %parallel_loop3A_127, %parallel_loop3A_128, %parallel_loop3A_130 : vector<16xi32>, vector<16xi32>, vector<16xi32>, vector<16xi32>, vector<16xi32>
      } {sc.loop_unroll_factor = 4 : i64, sc.parallel_access}
      %sub3A_56 = arith.subi %sub3A_48, %parallel_loop3A_55#2 : vector<16xi32>
      %shift_left3A = arith.constant 8 : i32
      %shift_left3A_57 = vector.broadcast %shift_left3A : i32 to vector<16xi32>
      %shift_left3A_58 = arith.shli %parallel_loop3A_47#1, %shift_left3A_57 : vector<16xi32>
      %or3A = arith.ori %shift_left3A_58, %parallel_loop3A_55#1 : vector<16xi32>
      %parallel_loop3A_59 = arith.constant 0 : i32
      %parallel_loop3A_60 = arith.constant 4096 : i32
      %parallel_loop3A_61 = arith.constant 1 : i32
      scf.for %parallel_loop3A_91 = %parallel_loop3A_59 to %parallel_loop3A_60 step %parallel_loop3A_61  : i32 {
        %parallel_loop3A_92 = arith.index_cast %parallel_loop3A_91 : i32 to index
        %parallel_loop3A_93 = arith.constant 0 : index
        %parallel_loop3A_94 = tpu.vector_load %arg4[%parallel_loop3A_92, %parallel_loop3A_93] {strides = array<i32>} : memref<4096x16xf32, #tpu.memory_space<vmem>>, vector<16xf32>,
        %parallel_loop3A_95 = vector.bitcast %parallel_loop3A_94 : vector<16xf32> to vector<16xi32>
        %parallel_loop3A_96 = arith.constant 16 : i32
        %parallel_loop3A_97 = vector.broadcast %parallel_loop3A_96 : i32 to vector<16xi32>
        %parallel_loop3A_98 = arith.shrui %parallel_loop3A_95, %parallel_loop3A_97 : vector<16xi32>
        %parallel_loop3A_99 = arith.cmpi eq, %parallel_loop3A_98, %or3A : vector<16xi32>
        %parallel_loop3A_100 = arith.constant 8 : i32
        %parallel_loop3A_101 = vector.broadcast %parallel_loop3A_100 : i32 to vector<16xi32>
        %parallel_loop3A_102 = arith.shrui %parallel_loop3A_95, %parallel_loop3A_101 : vector<16xi32>
        %parallel_loop3A_103 = arith.constant 255 : i32
        %parallel_loop3A_104 = vector.broadcast %parallel_loop3A_103 : i32 to vector<16xi32>
        %parallel_loop3A_105 = arith.andi %parallel_loop3A_102, %parallel_loop3A_104 : vector<16xi32>
        %parallel_loop3A_106 = arith.constant 1 : i32
        %parallel_loop3A_107 = arith.andi %parallel_loop3A_91, %parallel_loop3A_106 : i32
        %parallel_loop3A_108 = arith.constant 256 : i32
        %parallel_loop3A_109 = arith.muli %parallel_loop3A_107, %parallel_loop3A_108 : i32
        %parallel_loop3A_110 = vector.broadcast %parallel_loop3A_109 : i32 to vector<16xi32>
        %parallel_loop3A_111 = arith.addi %parallel_loop3A_110, %parallel_loop3A_105 : vector<16xi32>
        tpu.vector_store_idx %arg5[%parallel_loop3A_111, %iota3A], %broadcast_in_dim3A_1 masked %parallel_loop3A_99 {add = true} : memref<512x16xi32, #tpu.memory_space<vmem>>[vector<16xi32>, vector<16xi32>], vector<16xi32>, vector<16xi1>
      } {sc.loop_unroll_factor = 16 : i64, sc.parallel_access}
      %parallel_loop3A_62 = arith.constant 0 : i32
      %parallel_loop3A_63 = arith.constant 256 : i32
      %parallel_loop3A_64 = arith.constant 1 : i32
      %parallel_loop3A_65:5 = scf.for %parallel_loop3A_91 = %parallel_loop3A_62 to %parallel_loop3A_63 step %parallel_loop3A_64 iter_args(%parallel_loop3A_92 = %broadcast_in_dim3A_3, %parallel_loop3A_93 = %broadcast_in_dim3A_3, %parallel_loop3A_94 = %broadcast_in_dim3A_3, %parallel_loop3A_95 = %broadcast_in_dim3A_3, %parallel_loop3A_96 = %broadcast_in_dim3A_3) -> (vector<16xi32>, vector<16xi32>, vector<16xi32>, vector<16xi32>, vector<16xi32>)  : i32 {
        %parallel_loop3A_97 = arith.constant 255 : i32
        %parallel_loop3A_98 = arith.subi %parallel_loop3A_97, %parallel_loop3A_91 : i32
        %parallel_loop3A_99 = arith.index_cast %parallel_loop3A_98 : i32 to index
        %parallel_loop3A_100 = arith.constant 0 : index
        %parallel_loop3A_101 = tpu.vector_load %arg5[%parallel_loop3A_99, %parallel_loop3A_100] {strides = array<i32>} : memref<512x16xi32, #tpu.memory_space<vmem>>, vector<16xi32>,
        %parallel_loop3A_102 = arith.index_cast %parallel_loop3A_98 : i32 to index
        %parallel_loop3A_103 = arith.constant 0 : index
        %parallel_loop3A_104 = tpu.vector_load %arg5[%parallel_loop3A_102, %parallel_loop3A_103] {strides = array<i32>} : memref<512x16xi32, #tpu.memory_space<vmem>>, vector<16xi32>,
        tpu.vector_store %arg5[%parallel_loop3A_102, %parallel_loop3A_103], %broadcast_in_dim3A_3 {strides = array<i32>} : memref<512x16xi32, #tpu.memory_space<vmem>>, vector<16xi32>,
        %parallel_loop3A_105 = arith.constant 256 : i32
        %parallel_loop3A_106 = arith.addi %parallel_loop3A_105, %parallel_loop3A_98 : i32
        %parallel_loop3A_107 = arith.index_cast %parallel_loop3A_106 : i32 to index
        %parallel_loop3A_108 = arith.constant 0 : index
        %parallel_loop3A_109 = tpu.vector_load %arg5[%parallel_loop3A_107, %parallel_loop3A_108] {strides = array<i32>} : memref<512x16xi32, #tpu.memory_space<vmem>>, vector<16xi32>,
        %parallel_loop3A_110 = arith.addi %parallel_loop3A_101, %parallel_loop3A_109 : vector<16xi32>
        %parallel_loop3A_111 = arith.constant 256 : i32
        %parallel_loop3A_112 = arith.addi %parallel_loop3A_111, %parallel_loop3A_98 : i32
        %parallel_loop3A_113 = arith.index_cast %parallel_loop3A_112 : i32 to index
        %parallel_loop3A_114 = arith.constant 0 : index
        %parallel_loop3A_115 = tpu.vector_load %arg5[%parallel_loop3A_113, %parallel_loop3A_114] {strides = array<i32>} : memref<512x16xi32, #tpu.memory_space<vmem>>, vector<16xi32>,
        tpu.vector_store %arg5[%parallel_loop3A_113, %parallel_loop3A_114], %broadcast_in_dim3A_3 {strides = array<i32>} : memref<512x16xi32, #tpu.memory_space<vmem>>, vector<16xi32>,
        %parallel_loop3A_116 = arith.addi %parallel_loop3A_92, %parallel_loop3A_110 : vector<16xi32>
        %parallel_loop3A_117 = arith.constant 0 : i32
        %parallel_loop3A_118 = vector.broadcast %parallel_loop3A_117 : i32 to vector<16xi32>
        %parallel_loop3A_119 = arith.cmpi eq, %parallel_loop3A_96, %parallel_loop3A_118 : vector<16xi32>
        %parallel_loop3A_120 = arith.cmpi sge, %parallel_loop3A_116, %sub3A_56 : vector<16xi32>
        %parallel_loop3A_121 = arith.andi %parallel_loop3A_119, %parallel_loop3A_120 : vector<16xi1>
        %parallel_loop3A_122 = arith.constant 0 : i32
        %parallel_loop3A_123 = vector.broadcast %parallel_loop3A_122 : i32 to vector<16xi32>
        %parallel_loop3A_124 = vector.broadcast %parallel_loop3A_98 : i32 to vector<16xi32>
        %parallel_loop3A_125 = arith.addi %parallel_loop3A_123, %parallel_loop3A_124 : vector<16xi32>
        %parallel_loop3A_126 = arith.select %parallel_loop3A_121, %parallel_loop3A_125, %parallel_loop3A_93 : vector<16xi1>, vector<16xi32>
        %parallel_loop3A_127 = arith.select %parallel_loop3A_121, %parallel_loop3A_92, %parallel_loop3A_94 : vector<16xi1>, vector<16xi32>
        %parallel_loop3A_128 = arith.select %parallel_loop3A_121, %parallel_loop3A_110, %parallel_loop3A_95 : vector<16xi1>, vector<16xi32>
        %parallel_loop3A_129 = arith.extui %parallel_loop3A_121 : vector<16xi1> to vector<16xi32>
        %parallel_loop3A_130 = arith.ori %parallel_loop3A_96, %parallel_loop3A_129 : vector<16xi32>
        scf.yield %parallel_loop3A_116, %parallel_loop3A_126, %parallel_loop3A_127, %parallel_loop3A_128, %parallel_loop3A_130 : vector<16xi32>, vector<16xi32>, vector<16xi32>, vector<16xi32>, vector<16xi32>
      } {sc.loop_unroll_factor = 4 : i64, sc.parallel_access}
      %sub3A_66 = arith.subi %sub3A_56, %parallel_loop3A_65#2 : vector<16xi32>
      %shift_left3A_67 = arith.constant 8 : i32
      %shift_left3A_68 = vector.broadcast %shift_left3A_67 : i32 to vector<16xi32>
      %shift_left3A_69 = arith.shli %or3A, %shift_left3A_68 : vector<16xi32>
      %or3A_70 = arith.ori %shift_left3A_69, %parallel_loop3A_65#1 : vector<16xi32>
      %parallel_loop3A_71 = arith.constant 0 : i32
      %parallel_loop3A_72 = arith.constant 4096 : i32
      %parallel_loop3A_73 = arith.constant 1 : i32
      scf.for %parallel_loop3A_91 = %parallel_loop3A_71 to %parallel_loop3A_72 step %parallel_loop3A_73  : i32 {
        %parallel_loop3A_92 = arith.index_cast %parallel_loop3A_91 : i32 to index
        %parallel_loop3A_93 = arith.constant 0 : index
        %parallel_loop3A_94 = tpu.vector_load %arg4[%parallel_loop3A_92, %parallel_loop3A_93] {strides = array<i32>} : memref<4096x16xf32, #tpu.memory_space<vmem>>, vector<16xf32>,
        %parallel_loop3A_95 = vector.bitcast %parallel_loop3A_94 : vector<16xf32> to vector<16xi32>
        %parallel_loop3A_96 = arith.constant 8 : i32
        %parallel_loop3A_97 = vector.broadcast %parallel_loop3A_96 : i32 to vector<16xi32>
        %parallel_loop3A_98 = arith.shrui %parallel_loop3A_95, %parallel_loop3A_97 : vector<16xi32>
        %parallel_loop3A_99 = arith.cmpi eq, %parallel_loop3A_98, %or3A_70 : vector<16xi32>
        %parallel_loop3A_100 = arith.constant 0 : i32
        %parallel_loop3A_101 = vector.broadcast %parallel_loop3A_100 : i32 to vector<16xi32>
        %parallel_loop3A_102 = arith.shrui %parallel_loop3A_95, %parallel_loop3A_101 : vector<16xi32>
        %parallel_loop3A_103 = arith.constant 255 : i32
        %parallel_loop3A_104 = vector.broadcast %parallel_loop3A_103 : i32 to vector<16xi32>
        %parallel_loop3A_105 = arith.andi %parallel_loop3A_102, %parallel_loop3A_104 : vector<16xi32>
        %parallel_loop3A_106 = arith.constant 1 : i32
        %parallel_loop3A_107 = arith.andi %parallel_loop3A_91, %parallel_loop3A_106 : i32
        %parallel_loop3A_108 = arith.constant 256 : i32
        %parallel_loop3A_109 = arith.muli %parallel_loop3A_107, %parallel_loop3A_108 : i32
        %parallel_loop3A_110 = vector.broadcast %parallel_loop3A_109 : i32 to vector<16xi32>
        %parallel_loop3A_111 = arith.addi %parallel_loop3A_110, %parallel_loop3A_105 : vector<16xi32>
        tpu.vector_store_idx %arg5[%parallel_loop3A_111, %iota3A], %broadcast_in_dim3A_1 masked %parallel_loop3A_99 {add = true} : memref<512x16xi32, #tpu.memory_space<vmem>>[vector<16xi32>, vector<16xi32>], vector<16xi32>, vector<16xi1>
      } {sc.loop_unroll_factor = 16 : i64, sc.parallel_access}
      %parallel_loop3A_74 = arith.constant 0 : i32
      %parallel_loop3A_75 = arith.constant 256 : i32
      %parallel_loop3A_76 = arith.constant 1 : i32
      %parallel_loop3A_77:5 = scf.for %parallel_loop3A_91 = %parallel_loop3A_74 to %parallel_loop3A_75 step %parallel_loop3A_76 iter_args(%parallel_loop3A_92 = %broadcast_in_dim3A_3, %parallel_loop3A_93 = %broadcast_in_dim3A_3, %parallel_loop3A_94 = %broadcast_in_dim3A_3, %parallel_loop3A_95 = %broadcast_in_dim3A_3, %parallel_loop3A_96 = %broadcast_in_dim3A_3) -> (vector<16xi32>, vector<16xi32>, vector<16xi32>, vector<16xi32>, vector<16xi32>)  : i32 {
        %parallel_loop3A_97 = arith.constant 255 : i32
        %parallel_loop3A_98 = arith.subi %parallel_loop3A_97, %parallel_loop3A_91 : i32
        %parallel_loop3A_99 = arith.index_cast %parallel_loop3A_98 : i32 to index
        %parallel_loop3A_100 = arith.constant 0 : index
        %parallel_loop3A_101 = tpu.vector_load %arg5[%parallel_loop3A_99, %parallel_loop3A_100] {strides = array<i32>} : memref<512x16xi32, #tpu.memory_space<vmem>>, vector<16xi32>,
        %parallel_loop3A_102 = arith.index_cast %parallel_loop3A_98 : i32 to index
        %parallel_loop3A_103 = arith.constant 0 : index
        %parallel_loop3A_104 = tpu.vector_load %arg5[%parallel_loop3A_102, %parallel_loop3A_103] {strides = array<i32>} : memref<512x16xi32, #tpu.memory_space<vmem>>, vector<16xi32>,
        tpu.vector_store %arg5[%parallel_loop3A_102, %parallel_loop3A_103], %broadcast_in_dim3A_3 {strides = array<i32>} : memref<512x16xi32, #tpu.memory_space<vmem>>, vector<16xi32>,
        %parallel_loop3A_105 = arith.constant 256 : i32
        %parallel_loop3A_106 = arith.addi %parallel_loop3A_105, %parallel_loop3A_98 : i32
        %parallel_loop3A_107 = arith.index_cast %parallel_loop3A_106 : i32 to index
        %parallel_loop3A_108 = arith.constant 0 : index
        %parallel_loop3A_109 = tpu.vector_load %arg5[%parallel_loop3A_107, %parallel_loop3A_108] {strides = array<i32>} : memref<512x16xi32, #tpu.memory_space<vmem>>, vector<16xi32>,
        %parallel_loop3A_110 = arith.addi %parallel_loop3A_101, %parallel_loop3A_109 : vector<16xi32>
        %parallel_loop3A_111 = arith.constant 256 : i32
        %parallel_loop3A_112 = arith.addi %parallel_loop3A_111, %parallel_loop3A_98 : i32
        %parallel_loop3A_113 = arith.index_cast %parallel_loop3A_112 : i32 to index
        %parallel_loop3A_114 = arith.constant 0 : index
        %parallel_loop3A_115 = tpu.vector_load %arg5[%parallel_loop3A_113, %parallel_loop3A_114] {strides = array<i32>} : memref<512x16xi32, #tpu.memory_space<vmem>>, vector<16xi32>,
        tpu.vector_store %arg5[%parallel_loop3A_113, %parallel_loop3A_114], %broadcast_in_dim3A_3 {strides = array<i32>} : memref<512x16xi32, #tpu.memory_space<vmem>>, vector<16xi32>,
        %parallel_loop3A_116 = arith.addi %parallel_loop3A_92, %parallel_loop3A_110 : vector<16xi32>
        %parallel_loop3A_117 = arith.constant 0 : i32
        %parallel_loop3A_118 = vector.broadcast %parallel_loop3A_117 : i32 to vector<16xi32>
        %parallel_loop3A_119 = arith.cmpi eq, %parallel_loop3A_96, %parallel_loop3A_118 : vector<16xi32>
        %parallel_loop3A_120 = arith.cmpi sge, %parallel_loop3A_116, %sub3A_66 : vector<16xi32>
        %parallel_loop3A_121 = arith.andi %parallel_loop3A_119, %parallel_loop3A_120 : vector<16xi1>
        %parallel_loop3A_122 = arith.constant 0 : i32
        %parallel_loop3A_123 = vector.broadcast %parallel_loop3A_122 : i32 to vector<16xi32>
        %parallel_loop3A_124 = vector.broadcast %parallel_loop3A_98 : i32 to vector<16xi32>
        %parallel_loop3A_125 = arith.addi %parallel_loop3A_123, %parallel_loop3A_124 : vector<16xi32>
        %parallel_loop3A_126 = arith.select %parallel_loop3A_121, %parallel_loop3A_125, %parallel_loop3A_93 : vector<16xi1>, vector<16xi32>
        %parallel_loop3A_127 = arith.select %parallel_loop3A_121, %parallel_loop3A_92, %parallel_loop3A_94 : vector<16xi1>, vector<16xi32>
        %parallel_loop3A_128 = arith.select %parallel_loop3A_121, %parallel_loop3A_110, %parallel_loop3A_95 : vector<16xi1>, vector<16xi32>
        %parallel_loop3A_129 = arith.extui %parallel_loop3A_121 : vector<16xi1> to vector<16xi32>
        %parallel_loop3A_130 = arith.ori %parallel_loop3A_96, %parallel_loop3A_129 : vector<16xi32>
        scf.yield %parallel_loop3A_116, %parallel_loop3A_126, %parallel_loop3A_127, %parallel_loop3A_128, %parallel_loop3A_130 : vector<16xi32>, vector<16xi32>, vector<16xi32>, vector<16xi32>, vector<16xi32>
      } {sc.loop_unroll_factor = 4 : i64, sc.parallel_access}
      %sub3A_78 = arith.subi %sub3A_66, %parallel_loop3A_77#2 : vector<16xi32>
      %shift_left3A_79 = arith.constant 8 : i32
      %shift_left3A_80 = vector.broadcast %shift_left3A_79 : i32 to vector<16xi32>
      %shift_left3A_81 = arith.shli %or3A_70, %shift_left3A_80 : vector<16xi32>
      %or3A_82 = arith.ori %shift_left3A_81, %parallel_loop3A_77#1 : vector<16xi32>
      %xor3A = arith.constant -2147483648 : i32
      %xor3A_83 = vector.broadcast %xor3A : i32 to vector<16xi32>
      %xor3A_84 = arith.xori %or3A_82, %xor3A_83 : vector<16xi32>
      %sub3A_85 = arith.subi %parallel_loop3A_77#3, %sub3A_78 : vector<16xi32>
      %parallel_loop3A_86 = arith.constant 0 : i32
      %parallel_loop3A_87 = arith.constant 4096 : i32
      %parallel_loop3A_88 = arith.constant 1 : i32
      %parallel_loop3A_89:2 = scf.for %parallel_loop3A_91 = %parallel_loop3A_86 to %parallel_loop3A_87 step %parallel_loop3A_88 iter_args(%parallel_loop3A_92 = %broadcast_in_dim3A_3, %parallel_loop3A_93 = %broadcast_in_dim3A_3) -> (vector<16xi32>, vector<16xi32>)  : i32 {
        %parallel_loop3A_94 = arith.index_cast %parallel_loop3A_91 : i32 to index
        %parallel_loop3A_95 = arith.constant 0 : index
        %parallel_loop3A_96 = tpu.vector_load %arg4[%parallel_loop3A_94, %parallel_loop3A_95] {strides = array<i32>} : memref<4096x16xf32, #tpu.memory_space<vmem>>, vector<16xf32>,
        %parallel_loop3A_97 = vector.bitcast %parallel_loop3A_96 : vector<16xf32> to vector<16xi32>
        %parallel_loop3A_98 = arith.constant -2147483648 : i32
        %parallel_loop3A_99 = vector.broadcast %parallel_loop3A_98 : i32 to vector<16xi32>
        %parallel_loop3A_100 = arith.xori %parallel_loop3A_97, %parallel_loop3A_99 : vector<16xi32>
        %parallel_loop3A_101 = arith.cmpi sgt, %parallel_loop3A_100, %xor3A_84 : vector<16xi32>
        %parallel_loop3A_102 = arith.cmpi eq, %parallel_loop3A_97, %or3A_82 : vector<16xi32>
        %parallel_loop3A_103 = arith.cmpi sge, %parallel_loop3A_93, %sub3A_85 : vector<16xi32>
        %parallel_loop3A_104 = arith.andi %parallel_loop3A_102, %parallel_loop3A_103 : vector<16xi1>
        %parallel_loop3A_105 = arith.ori %parallel_loop3A_101, %parallel_loop3A_104 : vector<16xi1>
        %parallel_loop3A_106 = arith.constant 0 : i32
        %parallel_loop3A_107 = vector.broadcast %parallel_loop3A_106 : i32 to vector<16xi32>
        %parallel_loop3A_108 = arith.cmpi slt, %parallel_loop3A_97, %parallel_loop3A_107 : vector<16xi32>
        %parallel_loop3A_109 = arith.constant -2147483648 : i32
        %parallel_loop3A_110 = vector.broadcast %parallel_loop3A_109 : i32 to vector<16xi32>
        %parallel_loop3A_111 = arith.xori %parallel_loop3A_97, %parallel_loop3A_110 : vector<16xi32>
        %parallel_loop3A_112 = arith.constant dense<-1> : vector<16xi32>
        %parallel_loop3A_113 = arith.xori %parallel_loop3A_97, %parallel_loop3A_112 : vector<16xi32>
        %parallel_loop3A_114 = arith.select %parallel_loop3A_108, %parallel_loop3A_111, %parallel_loop3A_113 : vector<16xi1>, vector<16xi32>
        %parallel_loop3A_115 = vector.bitcast %parallel_loop3A_114 : vector<16xi32> to vector<16xf32>
        tpu.vector_store_idx %arg6[%parallel_loop3A_92, %iota3A], %parallel_loop3A_115 masked %parallel_loop3A_105 : memref<128x16xf32, #tpu.memory_space<vmem>>[vector<16xi32>, vector<16xi32>], vector<16xf32>, vector<16xi1>
        %parallel_loop3A_116 = arith.extui %parallel_loop3A_105 : vector<16xi1> to vector<16xi32>
        %parallel_loop3A_117 = arith.addi %parallel_loop3A_92, %parallel_loop3A_116 : vector<16xi32>
        %parallel_loop3A_118 = arith.extui %parallel_loop3A_102 : vector<16xi1> to vector<16xi32>
        %parallel_loop3A_119 = arith.addi %parallel_loop3A_93, %parallel_loop3A_118 : vector<16xi32>
        scf.yield %parallel_loop3A_117, %parallel_loop3A_119 : vector<16xi32>, vector<16xi32>
      } {sc.loop_unroll_factor = 16 : i64, sc.parallel_access}
      "tpu.region"() ({
        %run_scoped3A = tpu.sem_alloc : memref<!tpu.dma_semaphore, #tpu.memory_space<semaphore_mem>>
        %dma_start3A = arith.constant 0 : i32
        %dma_start3A_91 = tpu.memref_slice %arg3[%select_n3A, %dma_start3A, %mul3A_37] : memref<4x128x1024xf32, #tpu.memory_space<hbm>> -> memref<1x128x16xf32, #tpu.memory_space<hbm>>
        %dma_start3A_92 = tpu.memref_squeeze %dma_start3A_91 : memref<1x128x16xf32, #tpu.memory_space<hbm>> -> memref<128x16xf32, #tpu.memory_space<hbm>>
        %dma_start3A_93 = arith.constant 0 : i32
        %dma_start3A_94 = tpu.memref_slice %arg3[%select_n3A, %dma_start3A_93, %mul3A_37] : memref<4x128x1024xf32, #tpu.memory_space<hbm>> -> memref<1x128x16xf32, #tpu.memory_space<hbm>>
        %dma_start3A_95 = tpu.memref_squeeze %dma_start3A_94 : memref<1x128x16xf32, #tpu.memory_space<hbm>> -> memref<128x16xf32, #tpu.memory_space<hbm>>
        tpu.enqueue_dma source(%arg6 : memref<128x16xf32, #tpu.memory_space<vmem>>) target(%dma_start3A_95 : memref<128x16xf32, #tpu.memory_space<hbm>>) target_semaphore(%run_scoped3A : memref<!tpu.dma_semaphore, #tpu.memory_space<semaphore_mem>>)
        %dma_wait3A = arith.constant 0 : i32
        %dma_wait3A_96 = tpu.memref_slice %arg3[%select_n3A, %dma_wait3A, %mul3A_37] : memref<4x128x1024xf32, #tpu.memory_space<hbm>> -> memref<1x128x16xf32, #tpu.memory_space<hbm>>
        %dma_wait3A_97 = tpu.memref_squeeze %dma_wait3A_96 : memref<1x128x16xf32, #tpu.memory_space<hbm>> -> memref<128x16xf32, #tpu.memory_space<hbm>>
        %dma_wait3A_98 = arith.constant 0 : i32
        %dma_wait3A_99 = tpu.memref_slice %arg3[%select_n3A, %dma_wait3A_98, %mul3A_37] : memref<4x128x1024xf32, #tpu.memory_space<hbm>> -> memref<1x128x16xf32, #tpu.memory_space<hbm>>
        %dma_wait3A_100 = tpu.memref_squeeze %dma_wait3A_99 : memref<1x128x16xf32, #tpu.memory_space<hbm>> -> memref<128x16xf32, #tpu.memory_space<hbm>>
        tpu.wait_dma2 semaphore(%run_scoped3A : memref<!tpu.dma_semaphore, #tpu.memory_space<semaphore_mem>>) src(%arg6 : memref<128x16xf32, #tpu.memory_space<vmem>>) dst(%dma_wait3A_100 : memref<128x16xf32, #tpu.memory_space<hbm>>)
        tpu.yield
      }) : () -> ()
      %scan3A_90 = arith.constant 0 : i32
      scf.yield %scan3A_90 : i32
    }
    %scan3A_11 = arith.constant 8 : i32
    return
  }
}

</mosaic_0001>

<sc_bundles>
// kernel: kernel.3.cloned.1.call-start
scs
__scs_entry_jumppad:
0x0: {  	(pc) =	sbr.rel $0x88, $3  }
0x1: {  	(tag) =	ssettag $0x0;
	lr =	simm.s32 $0x1  }
0x2: {  	[smem:$0x3FA0] =	sst lr;
	_ =	strace $0xD0000000  }
0x3: {  	_ = 	snop  }
0x4: {  	_ = 	snop  }
0x5: {  	_ = 	snop  }
0x6: {  	_ = 	snop  }
0x7: {  	_ = 	snop  }
__scs_overlays_trampoline_lowered:
0x8: {  	[smem:$0x3FAF] =	sst s0  }
0x9: {  	[smem:$0x3FB0] =	sst s1  }
0xa: {  	[smem:$0x3FB1] =	sst s2  }
0xb: {  	[smem:$0x3FB2] =	sst s3  }
0xc: {  	[smem:$0x3FB3] =	sst s4  }
0xd: {  	[smem:$0x3FB4] =	sst s5  }
0xe: {  	[smem:$0x3FB5] =	sst s6  }
0xf: {  	[smem:$0x3FB6] =	sst s7  }
0x10: {  	[smem:$0x3FB7] =	sst s8  }
0x11: {  	[smem:$0x3FB8] =	sst s9;
	s0 =	simm.s32 @!p0 $0x0  }
0x12: {  	s1 =	sld [smem:$0x3F9E];
	s0 =	simm.s32 @p0 $0x1  }
0x13: {  	[smem:$0x3FB9] =	sst s0;
	s0 =	simm.s32 @!p1 $0x0  }
0x14: {  	s2 =	sld [smem:$0x3F9D];
	s0 =	simm.s32 @p1 $0x1  }
0x15: {  	[smem:$0x3FBA] =	sst s0;
	s0 =	simm.s32 @!p2 $0x0  }
0x16: {  	s3 =	sld [smem:$0x3FDB];
	s0 =	simm.s32 @p2 $0x1  }
0x17: {  	s4 =	simm.s32 $0x1BF5;
	[smem:$0x3FBC] =	sst s0  }
0x18: {  	s0 =	sld [smem:$0x3F9F];
	_ =	swait.ge [sflag:s4], $0x0  }
0x19: {  	s7 =	sld [smem:$0x3FA0]  }
0x1a: {  	s8 =	sadd.s32 $0xFFFFE003, lr  }
0x1b: {  	s9 =	sadd.s32 $0xFFFFFEF7, lr;
	s5 =	simm.s32 $0xFFFFFFFF;
	p2 =	slt.u32 s8, $0xFFFFF086  }
0x1c: {  	p1 =	slt.u32 s9, $0xF7A;
	s5 =	simm.s32 @!p2 $0x0  }
0x1d: {  	s5 =	simm.s32 @p1 $0x1;
	p0 =	seq.s32 s7, s2  }
0x1e: {  	s7 =	smul.u32 @!p0 $0xF7A, s2;
	p2 =	seq.s32 @!p0 s5, $0x0  }
0x1f: {  	s9 =	smul.u32 $0xF7A, s1;
	s8 =	simm.s32 @!p0 $0x1BF5;
	p2 =	por !p2, p0  }
0x20: {  	[sflag:s8] =	ssyncset.s32 @!p0 $0xFFFFF086;
	s6 =	sadd.s32 @!p0 s3, s7;
	s7 =	simm.s32 @!p0 $0x108  }
0x21: {  	s3 =	sadd.s32 s3, s9;
	s6 =	sadd.s32 @!p0 $0x88, s6;
	s7 =	simm.s32 @p2 $0x1082  }
0x22: {  	[simem:s7], [sflag:s8] =	dma.local @!p0 [hbm:s6], $0xF7A  }
0x23: {  	s9 =	sor.u32 $0xD0000000, s2;
	s6 =	simm.s32 $0x108;
	_ =	swait.ge @!p0 [sflag:s8], $0x0  }
0x24: {  	s3 =	sadd.s32 $0x88, s3;
	s6 =	simm.s32 @!p1 $0x1082;
	[sflag:s4] =	ssyncset.s32 $0xFFFFF086  }
0x25: {  	[simem:s6], [sflag:s4] =	dma.local [hbm:s3], $0xF7A  }
0x26: {  	[smem:$0x3FA0] =	sst s1;
	(tag) =	ssettag s2;
	_ =	strace s9  }
0x27: {  	s1 =	sld [smem:$0x3FB0]  }
0x28: {  	s2 =	sld [smem:$0x3FB1]  }
0x29: {  	s4 =	sld [smem:$0x3FB3]  }
0x2a: {  	p0 =	seq.s32 s5, $0x0;
	s5 =	sld [smem:$0x3FB4]  }
0x2b: {  	s6 =	sld [smem:$0x3FB5]  }
0x2c: {  	s7 =	sld [smem:$0x3FB6]  }
0x2d: {  	s3 =	simm.s32 $0x108;
	s8 =	sld [smem:$0x3FB7]  }
0x2e: {  	s3 =	simm.s32 @!p0 $0x1082;
	s9 =	sld [smem:$0x3FB8]  }
0x2f: {  	lr =	sadd.s32 s0, s3;
	s0 =	sld [smem:$0x3FAF]  }
0x30: {  	s3 =	sld [smem:$0x3FB2]  }
0x31: {  	[smem:$0x3FBB] =	sst s10  }
0x32: {  	s10 =	sld [smem:$0x3FB9];
	_ =	sdelay $0x3  }
0x33: {  	p0 =	seq.s32 s10, $0x1;
	s10 =	sld [smem:$0x3FBB];
	_ =	sdelay $0x3  }
0x34: {  	[smem:$0x3FBB] =	sst s10  }
0x35: {  	s10 =	sld [smem:$0x3FBA];
	_ =	sdelay $0x3  }
0x36: {  	p1 =	seq.s32 s10, $0x1;
	s10 =	sld [smem:$0x3FBB];
	_ =	sdelay $0x3  }
0x37: {  	[smem:$0x3FBB] =	sst s10  }
0x38: {  	s10 =	sld [smem:$0x3FBC]  }
0x39: {  	_ = 	snop;
	(pc) =	sbr.ind lr, $3  }
0x3a: {  	_ = 	snop  }
0x3b: {  	_ = 	snop  }
0x3c: {  	p2 =	seq.s32 s10, $0x1;
	s10 =	sld [smem:$0x3FBB]  }
0x3d: {  	_ =	shalt  }
0x3e: {  	_ =	shalt  }
0x3f: {  	_ =	shalt  }
0x40: {  	_ =	shalt  }
0x41: {  	_ =	shalt  }
0x42: {  	_ =	shalt  }
0x43: {  	_ =	shalt  }
0x44: {  	_ =	shalt  }
0x45: {  	_ =	shalt  }
0x46: {  	_ =	shalt  }
0x47: {  	_ =	shalt  }
0x48: {  	_ =	shalt  }
0x49: {  	_ =	shalt  }
0x4a: {  	_ =	shalt  }
0x4b: {  	_ =	shalt  }
0x4c: {  	_ =	shalt  }
0x4d: {  	_ =	shalt  }
0x4e: {  	_ =	shalt  }
0x4f: {  	_ =	shalt  }
0x50: {  	_ =	shalt  }
0x51: {  	_ =	shalt  }
0x52: {  	_ =	shalt  }
0x53: {  	_ =	shalt  }
0x54: {  	_ =	shalt  }
0x55: {  	_ =	shalt  }
0x56: {  	_ =	shalt  }
0x57: {  	_ =	shalt  }
0x58: {  	_ =	shalt  }
0x59: {  	_ =	shalt  }
0x5a: {  	_ =	shalt  }
0x5b: {  	_ =	shalt  }
0x5c: {  	_ =	shalt  }
0x5d: {  	_ =	shalt  }
0x5e: {  	_ =	shalt  }
0x5f: {  	_ =	shalt  }
0x60: {  	_ =	shalt  }
0x61: {  	_ =	shalt  }
0x62: {  	_ =	shalt  }
0x63: {  	_ =	shalt  }
0x64: {  	_ =	shalt  }
0x65: {  	_ =	shalt  }
0x66: {  	_ =	shalt  }
0x67: {  	_ =	shalt  }
0x68: {  	_ =	shalt  }
0x69: {  	_ =	shalt  }
0x6a: {  	_ =	shalt  }
0x6b: {  	_ =	shalt  }
0x6c: {  	_ =	shalt  }
0x6d: {  	_ =	shalt  }
0x6e: {  	_ =	shalt  }
0x6f: {  	_ =	shalt  }
0x70: {  	_ =	shalt  }
0x71: {  	_ =	shalt  }
0x72: {  	_ =	shalt  }
0x73: {  	_ =	shalt  }
0x74: {  	_ =	shalt  }
0x75: {  	_ =	shalt  }
0x76: {  	_ =	shalt  }
0x77: {  	_ =	shalt  }
0x78: {  	_ =	shalt  }
0x79: {  	_ =	shalt  }
0x7a: {  	_ =	shalt  }
0x7b: {  	_ =	shalt  }
0x7c: {  	_ =	shalt  }
0x7d: {  	_ =	shalt  }
0x7e: {  	_ =	shalt  }
0x7f: {  	_ =	shalt  }
0x80: {  	_ =	shalt  }
0x81: {  	_ =	shalt  }
0x82: {  	_ =	shalt  }
0x83: {  	_ =	shalt  }
0x84: {  	_ =	shalt  }
0x85: {  	_ =	shalt  }
0x86: {  	_ =	shalt  }
0x87: {  	_ =	shalt  }
.Lfunc_end0:
.L_simem_size_0:
called_computation.1_lowered:
.L_overlay_start_0:
0x88: {  	s2 =	sld [smem:$0x3FD9]  }
0x89: {  	s3 =	sld [smem:$0x3FFE];
	_ =	sdelay $0x1  }
0x8a: {  	s1 =	srdreg.scid  }
0x8b: {  	s0 =	sand.u32 $0x1, s1  }
0x8c: {  	s16 =	sshll.u32 s0, $0xA;
	s2 =	sadd.s32 s3, s2  }
0x8d: {  	s2 =	sadd.s32 s2, s16  }
0x8e: {  	[smem:$0x3FC7] =	sst s2  }
0x8f: {  	_ = 	snop  }
0x90: {  	(tm) =	ssettm $0x1  }
0x91: {  	s17 =	sld [smem:$0x3FFB];
	_ =	sdelay $0x3  }
0x92: {  	_ =	strace s17  }
0x93: {  	s2 =	sld [smem:$0x3FFC];
	_ =	sdelay $0x3  }
0x94: {  	_ =	strace s2  }
0x95: {  	s2 =	sld [smem:$0x3FFD];
	_ =	sdelay $0x3  }
0x96: {  	_ =	strace s2  }
0x97: {  	_ =	strace $0x8FFFFFFF  }
0x98: {  	s18 =	sld [smem:$0x3FDB];
	_ =	sdelay $0x1  }
0x99: {  	s19 =	simm.s32 $_scs_section_size  }
0x9a: {  	s4 =	simm.s32 $_size__tile_overlayer_lowered;
	s5 =	simm.s32 $_tile_overlayer_lowered  }
0x9b: {  	s22 =	simm.s32 $0x1BFF;
	s21 =	sshll.u32 s5, $0x1;
	s2 =	sadd.s32 s19, s18  }
0x9c: {  	s6 =	simm.s32 $0x0;
	s20 =	sshll.u32 s4, $0x1;
	s4 =	sadd.s32 s21, s2  }
0x9d: {  	[timem:s6], [sflag:s22] =	dma.local [hbm:s4], s20  }
0x9e: {  	_ =	swait.ge [sflag:s22], s20  }
0x9f: {  	s3 =	ssub.s32 $0x0, s20;
	[sflag:s22] =	ssyncset.done $0x0  }
0xa0: {  	[sflag:s22] =	ssyncadd.s32 s3;
	_ =	sdelay $0x1  }
0xa1: {  	s23 =	simm.s32 $0x1B8B  }
0xa2: {  	_ =	swait.ge [sflag:s23], $0x1  }
0xa3: {  	[sflag:s23] =	ssyncset.done $0x0  }
0xa4: {  	s25 =	simm.s32 $0x1B8E;
	s24 =	sld [smem:$0x3FFE];
	[sflag:s23] =	ssyncadd.s32 $0xFFFFFFFF  }
0xa5: {  	s26 =	simm.s32 $execute0_lowered;
	[smem:$0x3FD2] =	sst s25  }
0xa6: {  	s4 =	sshll.u32 s26, $0x1;
	_ =	strace $0x80000049;
	[dreg:$0x1] =	wrdreg $0xFFFFFFFF  }
0xa7: {  	s28 =	simm.s32 $_size_execute0_lowered;
	s2 =	sadd.s32 s2, s4;
	[dreg:$0x0] =	wrdreg $0x0  }
0xa8: {  	s4 =	sshll.u32 s28, $0x1;
	[dreg:$0x2] =	wrdreg s2  }
0xa9: {  	[dreg:$0x3] =	wrdreg s4  }
0xaa: {  	[dreg:$0x4] =	wrdreg $0xC0  }
0xab: {  	_ =	task [dreg:s6], $0x5FFFF  }
0xac: {  	[dreg:$0x1] =	wrdreg $0xFFFFFFFF  }
0xad: {  	[dreg:$0x0] =	wrdreg $0x60  }
0xae: {  	[dreg:$0x2] =	wrdreg s24  }
0xaf: {  	[dreg:$0x3] =	wrdreg $0x9  }
0xb0: {  	_ =	task.clear_ibuf [dreg:s6], $0x4FFFF;
	_ =	strace $0x90000049  }
0xb1: {  	s29 =	simm.s32 $0x9;
	_ =	strace $0x8000004B  }
0xb2: {  	_ =	swait.ge [sflag:s29], $0x1  }
0xb3: {  	[sflag:s29] =	ssyncadd.s32 $0xFFFFFFFF  }
0xb4: {  	_ =	strace $0x9000004B  }
0xb5: {  	_ =	sfence  }
0xb6: {  	s30 =	sld [smem:$0x0];
	_ =	sdelay $0x2  }
0xb7: {  	s31 =	sshll.u32 s1, $0xD;
	s1 =	sshrl.u32 s1, $0x2  }
0xb8: {  	s3 =	sand.u32 $0x4000, s31;
	s1 =	sadd.s32 s1, s30  }
0xb9: {  	s0 =	sor.u32 s3, s0;
	s1 =	sshll.u32 s1, $0x11  }
0xba: {  	s0 =	sor.u32 s1, s0  }
0xbb: {  	s0 =	sadd.s32 $0x8F2B, s0  }
0xbc: {  	[sflag:s0] =	ssyncadd.remote.s32 $0x1  }
0xbd: {  	_ =	sfence.sel $0xFFFF  }
0xbe: {  	[dreg:$0x0] =	wrdreg $0xFFFFFFFF;
	(pc) =	sbr.abs _section_cstart, $3  }
0xbf: {  	[dreg:$0x1] =	wrdreg $0xFFFFFFFF  }
0xc0: {  	_ =	task.clear_ibuf [dreg:s6], $0x2FFFF;
	_ =	strace $0x9FFFFFFF  }
0xc1: {  	(tm) =	ssettm $0x7FFFFFFF  }
tec
execute0_lowered:
.L_overlay_start_1:
0x0: {  	(tag) =	ssettag $0x1  }
0x1: {  	s2 =	rddreg [dreg:$0x0]  }
0x2: {  	s0 =	rddreg [dreg:$0x1];
	s1 =	simm.s32 $0x0  }
0x3: {  	s3 =	srdreg.scid;
	s11 =	simm.s32 $0x400;
	s12 =	simm.s32 $0x1  }
0x4: {  	s13 =	simm.s32 $0x10000;
	s14 =	simm.s32 $0x12000;
	s15 =	simm.s32 $0x0  }
0x5: {  	[smem:$0x7FF] =	sst s1;
	s5 =	sand.u32 $0x1, s3;
	s3 =	sadd.s32 $0x800, s2  }
0x6: {  	s4 =	sadd.s32 $0x200800, s2;
	s2 =	stileid.u32;
	_ =	strace $0x8000004A  }
0x7: {  	s6 =	ssub.s32 $0x2, s5;
	s8 =	sshll.u32 s2, $0x4;
	s5 =	sshll.u32 s5, $0x3  }
0x8: {  	s9 =	sshrl.u32 s2, $0x2;
	s7 =	sshrl.u32 s6, $0x1;
	s5 =	sor.u32 s5, s8  }
0x9: {  	v0 =	vlaneseq.u32;
	s8 =	sshll.u32 s9, $0x11;
	s10 =	ssub.s32 s6, s7;
	s6 =	sshll.u32 s9, $0xA  }
0xa: {  	v1 =	vimm.s32 $0x0;
	v2 =	vimm.s32 $0x1;
	v3 =	vor.u32 $0x1000, v0;
	s7 =	sshll.u32 s9, $0x16;
	s9 =	smax.u32 s10, $0x1;
	s10 =	simm.s32 $0x10  }
.LBB2_1:
0xb: {  	s16 =	simm.s32 $0x10040  }
0xc: {  	[tilespmem:s16+$0xFFFFFFC0] =	vst v1  }
0xd: {  	[tilespmem:s16+$0x30] =	vst v1  }
0xe: {  	[tilespmem:s16+$0x20] =	vst v1  }
0xf: {  	[tilespmem:s16+$0x10] =	vst v1  }
0x10: {  	[tilespmem:s16+$0x0] =	vst v1  }
0x11: {  	[tilespmem:s16+$0xFFFFFFF0] =	vst v1  }
0x12: {  	s17 =	simm.s32 $0x0;
	[tilespmem:s16+$0xFFFFFFE0] =	vst v1  }
.LBB2_2:
0x13: {  	s17 =	sadd.s32 $0x8, s17;
	[tilespmem:s16+$0xFFFFFFD0] =	vst v1;
	s16 =	sadd.s32 $0x80, s16  }
0x14: {  	[tilespmem:s16+$0xFFFFFFC0] =	vst v1;
	p0 =	slt.u32 s17, $0x1F8  }
0x15: {  	[tilespmem:s16+$0x30] =	vst v1  }
.Ltmp0:
0x16: {  	[tilespmem:s16+$0x20] =	vst v1;
	(pc) =	sbr.rel @p0 .LBB2_2-.Ltmp0, $4  }
0x17: {  	[tilespmem:s16+$0x10] =	vst v1  }
0x18: {  	[tilespmem:s16+$0x0] =	vst v1  }
0x19: {  	[tilespmem:s16+$0xFFFFFFF0] =	vst v1  }
0x1a: {  	[tilespmem:s16+$0xFFFFFFE0] =	vst v1  }
0x1b: {  	[tilespmem:s16+$0xFFFFFFD0] =	vst v1;
	s16 =	simm.s32 $0x0  }
.LBB2_4:
0x1c: {  	s17 =	sadd.s32 s5, s16  }
0x1d: {  	s17 =	sshll.u32 s17, $0x4  }
0x1e: {  	s17 =	ssub.s32 s17, s6  }
0x1f: {  	s18 =	sadd.s32 s7, s17  }
0x20: {  	s18 =	sshrl.u32 s18, $0x3  }
0x21: {  	s18 =	sadd.s32 s3, s18  }
0x22: {  	[tilespmem:s1], [sflag:$0x1] =	stream.strided.gather [hbm4b:s18+s10], $0x10000, s11, s10, $0x38;
	[tilespmem:$0x12800] =	vst v63  }
0x23: {  	_ =	swait.ge [sflag:s12], $0x10000  }
0x24: {  	[sflag:s12] =	ssyncset.done $0x0  }
0x25: {  	s19 =	simm.s32 $0x80;
	[sflag:s12] =	ssyncadd.s32 $0xFFFF0000  }
0x26: {  	v4 =	vld [tilespmem:s19+$0x70]  }
0x27: {  	v5 =	vld [tilespmem:s19+$0xFFFFFF90]  }
0x28: {  	v6 =	vld [tilespmem:s19+$0xFFFFFFA0]  }
0x29: {  	v8 =	vld [tilespmem:s19+$0xFFFFFFC0]  }
0x2a: {  	v9 =	vld [tilespmem:s19+$0xFFFFFFD0];
	_ =	sdelay $0x1  }
0x2b: {  	v7 =	vld [tilespmem:s19+$0xFFFFFFB0]  }
0x2c: {  	v12 =	vld [tilespmem:s19+$0xFFFFFFE0]  }
0x2d: {  	v14 =	vld [tilespmem:s19+$0xFFFFFFF0];
	v10 =	vshra.s32 v4, $0x1F;
	v11 =	vshra.s32 v5, $0x1F;
	v13 =	vshra.s32 v6, $0x1F  }
0x2e: {  	v15 =	vld [tilespmem:s19+$0x0];
	v17 =	vshra.s32 v8, $0x1F;
	v19 =	vshra.s32 v9, $0x1F;
	v10 =	vor.u32 $0x80000000, v10  }
0x2f: {  	v11 =	vor.u32 $0x80000000, v11;
	v17 =	vor.u32 $0x80000000, v17;
	v4 =	vxor.u32 v4, v10  }
0x30: {  	v18 =	vld [tilespmem:s19+$0x10];
	v10 =	vor.u32 $0x80000000, v13;
	v13 =	vshra.s32 v7, $0x1F;
	v21 =	vxor.u32 v5, v11  }
0x31: {  	v20 =	vld [tilespmem:s19+$0x20];
	v5 =	vor.u32 $0x80000000, v19;
	v11 =	vshra.s32 v12, $0x1F;
	v16 =	vshrl.u32 v4, $0x14  }
0x32: {  	v23 =	vld [tilespmem:s19+$0x40];
	v13 =	vor.u32 $0x80000000, v13;
	v22 =	vxor.u32 v6, v10;
	v6 =	vor.u32 $0x80000000, v11  }
0x33: {  	v25 =	vld [tilespmem:s19+$0x50];
	v10 =	vshra.s32 v14, $0x1F;
	v11 =	vshra.s32 v15, $0x1F;
	v16 =	vand.u32 $0xFF0, v16  }
0x34: {  	v24 =	vxor.u32 v7, v13;
	v10 =	vor.u32 $0x80000000, v10;
	v7 =	vxor.u32 v8, v17  }
0x35: {  	v13 =	vor.u32 $0x80000000, v11;
	v11 =	vshra.s32 v18, $0x1F;
	v8 =	vxor.u32 v9, v5  }
0x36: {  	v19 =	vld [tilespmem:s19+$0x30];
	v9 =	vshra.s32 v20, $0x1F;
	v16 =	vor.u32 v3, v16;
	v5 =	vor.u32 $0x80000000, v11  }
0x37: {  	v11 =	vxor.u32 v12, v6;
	v6 =	vor.u32 $0x80000000, v9;
	v12 =	vxor.u32 v14, v10  }
0x38: {  	v10 =	vshra.s32 v23, $0x1F;
	v13 =	vxor.u32 v15, v13;
	v15 =	vshra.s32 v25, $0x1F  }
0x39: {  	v10 =	vor.u32 $0x80000000, v10;
	v14 =	vxor.u32 v18, v5;
	v5 =	vor.u32 $0x80000000, v15  }
0x3a: {  	v17 =	vld [tilespmem:s19+$0x60];
	v15 =	vxor.u32 v20, v6;
	v32 =	vshrl.u32 v12, $0x14;
	v33 =	vshrl.u32 v13, $0x14  }
0x3b: {  	v26 =	vld [tilespmem:s19+$0xFFFFFF80];
	v9 =	vshra.s32 v19, $0x1F;
	v10 =	vxor.u32 v23, v10;
	v5 =	vxor.u32 v25, v5  }
0x3c: {  	v23 =	vshrl.u32 v7, $0x14;
	v25 =	vshrl.u32 v8, $0x14;
	v34 =	vshrl.u32 v14, $0x14  }
0x3d: {  	v35 =	vshrl.u32 v15, $0x14;
	v9 =	vor.u32 $0x80000000, v9;
	v37 =	vshrl.u32 v10, $0x14  }
0x3e: {  	v38 =	vshrl.u32 v5, $0x14;
	v27 =	vand.u32 $0xFF0, v25;
	v25 =	vand.u32 $0xFF0, v32  }
0x3f: {  	v18 =	vshra.s32 v17, $0x1F;
	v9 =	vxor.u32 v19, v9;
	v19 =	vshrl.u32 v21, $0x14  }
0x40: {  	v6 =	vor.u32 $0x80000000, v18;
	v18 =	vshra.s32 v26, $0x1F;
	v36 =	vshrl.u32 v9, $0x14  }
0x41: {  	v29 =	vand.u32 $0xFF0, v19;
	v19 =	vand.u32 $0xFF0, v23;
	v23 =	vand.u32 $0xFF0, v34  }
0x42: {  	[tilespmem:s19+$0xFFFFFF90] =	vst v21;
	v18 =	vor.u32 $0x80000000, v18;
	v6 =	vxor.u32 v17, v6;
	v17 =	vshrl.u32 v22, $0x14  }
0x43: {  	[tilespmem:s19+$0xFFFFFFA0] =	vst v22;
	v22 =	vand.u32 $0xFF0, v38;
	v31 =	vxor.u32 v26, v18;
	v18 =	vshrl.u32 v24, $0x14  }
0x44: {  	[tilespmem:s19+$0x70] =	vst v4;
	v26 =	vshrl.u32 v11, $0x14;
	v39 =	vshrl.u32 v6, $0x14;
	v28 =	vand.u32 $0xFF0, v17  }
0x45: {  	[tilespmem:s19+$0xFFFFFFB0] =	vst v24;
	v17 =	vand.u32 $0xFF0, v36;
	v24 =	vand.u32 $0xFF0, v37;
	v20 =	vshrl.u32 v31, $0x14  }
0x46: {  	s21 =	simm.s32 $0x0;
	[tilespmem:v16+s13+$0x0] =	vst.idx.add.s32.msk $0xffff, v2;
	v21 =	vand.u32 $0xFF0, v18;
	v26 =	vand.u32 $0xFF0, v26;
	v18 =	vand.u32 $0xFF0, v35  }
0x47: {  	s20 =	simm.s32 $0x11FC0;
	s22 =	simm.s32 $0x180;
	s18 =	simm.s32 $0xFF;
	[tilespmem:s19+$0xFFFFFF80] =	vst v31;
	v16 =	vand.u32 $0xFF0, v39;
	v30 =	vand.u32 $0xFF0, v20;
	v20 =	vand.u32 $0xFF0, v33  }
.LBB2_5:
0x48: {  	v31 =	vld [tilespmem:s22+$0x70];
	s21 =	sadd.s32 $0x10, s21;
	v30 =	vor.u32 v0, v30;
	v29 =	vor.u32 v3, v29;
	v28 =	vor.u32 v0, v28;
	[tilespmem:s19+$0xFFFFFFC0] =	vst v7  }
0x49: {  	v32 =	vor.u32 v3, v21;
	v21 =	vor.u32 v0, v19;
	v27 =	vor.u32 v3, v27;
	v7 =	vld [tilespmem:s22+$0xFFFFFF90];
	p0 =	slt.u32 s21, $0xFF0;
	[tilespmem:s19+$0xFFFFFFD0] =	vst v8  }
0x4a: {  	v26 =	vor.u32 v0, v26;
	v25 =	vor.u32 v3, v25;
	v33 =	vor.u32 v0, v20;
	v8 =	vld [tilespmem:s22+$0xFFFFFFA0];
	[tilespmem:s19+$0xFFFFFFE0] =	vst v11  }
0x4b: {  	v23 =	vor.u32 v3, v23;
	v20 =	vor.u32 v0, v18;
	v19 =	vor.u32 v3, v17;
	v11 =	vld [tilespmem:s22+$0xFFFFFFB0];
	[tilespmem:s19+$0xFFFFFFF0] =	vst v12  }
0x4c: {  	v18 =	vor.u32 v0, v24;
	v17 =	vor.u32 v3, v22;
	v16 =	vor.u32 v0, v16;
	v12 =	vld [tilespmem:s22+$0xFFFFFFC0];
	[tilespmem:s19+$0x0] =	vst v13  }
0x4d: {  	v13 =	vld [tilespmem:s22+$0xFFFFFFD0];
	v4 =	vshra.s32 v31, $0x1F;
	[tilespmem:s19+$0x10] =	vst v14  }
0x4e: {  	v14 =	vshra.s32 v7, $0x1F;
	v22 =	vld [tilespmem:s22+$0xFFFFFFE0];
	v24 =	vor.u32 $0x80000000, v4;
	v4 =	vimm.s32 $0x0;
	[tilespmem:s19+$0x20] =	vst v15  }
0x4f: {  	v14 =	vor.u32 $0x80000000, v14;
	v15 =	vshra.s32 v8, $0x1F;
	v34 =	vld [tilespmem:s22+$0xFFFFFFF0];
	v24 =	vxor.u32 v31, v24;
	[tilespmem:s19+$0x30] =	vst v9  }
0x50: {  	v9 =	vor.u32 $0x80000000, v15;
	v15 =	vshra.s32 v11, $0x1F;
	v31 =	vld [tilespmem:s22+$0x0];
	v35 =	vshrl.u32 v24, $0x14;
	[tilespmem:s19+$0x40] =	vst v10  }
0x51: {  	v10 =	vor.u32 $0x80000000, v15;
	v15 =	vshra.s32 v12, $0x1F;
	v36 =	vld [tilespmem:s22+$0x10];
	v35 =	vand.u32 $0xFF0, v35;
	[tilespmem:s19+$0x50] =	vst v5  }
0x52: {  	v5 =	vor.u32 $0x80000000, v15;
	v15 =	vshra.s32 v13, $0x1F;
	v37 =	vld [tilespmem:s22+$0x20];
	v35 =	vor.u32 v3, v35;
	[tilespmem:s19+$0x60] =	vst v6;
	s19 =	smov.u32 s22  }
0x53: {  	v6 =	vxor.u32 v7, v14;
	v14 =	vor.u32 $0x80000000, v15;
	v7 =	vshra.s32 v22, $0x1F;
	v38 =	vld [tilespmem:s22+$0x30]  }
0x54: {  	v39 =	vxor.u32 v8, v9;
	[tilespmem:s22+$0xFFFFFF90] =	vst v6;
	v9 =	vor.u32 $0x80000000, v7;
	v7 =	vshra.s32 v34, $0x1F;
	v40 =	vld [tilespmem:s22+$0x40]  }
0x55: {  	v41 =	vxor.u32 v11, v10;
	[tilespmem:s22+$0xFFFFFFA0] =	vst v39;
	v10 =	vor.u32 $0x80000000, v7;
	v8 =	vshra.s32 v31, $0x1F;
	v42 =	vld [tilespmem:s22+$0x50]  }
0x56: {  	v7 =	vxor.u32 v12, v5;
	v5 =	vor.u32 $0x80000000, v8;
	v11 =	vshra.s32 v36, $0x1F;
	v43 =	vld [tilespmem:s22+$0x60];
	[tilespmem:s22+$0x70] =	vst v24  }
0x57: {  	v8 =	vxor.u32 v13, v14;
	v14 =	vor.u32 $0x80000000, v11;
	v12 =	vshra.s32 v37, $0x1F;
	[tilespmem:v35+s13+$0x0] =	vst.idx.add.s32.msk $0xffff, v2  }
0x58: {  	v11 =	vxor.u32 v22, v9;
	v24 =	vld [tilespmem:s22+$0xFFFFFF80];
	[tilespmem:s22+$0xFFFFFFB0] =	vst v41;
	v9 =	vor.u32 $0x80000000, v12;
	v13 =	vshra.s32 v38, $0x1F  }
0x59: {  	v12 =	vxor.u32 v34, v10;
	v10 =	vor.u32 $0x80000000, v13;
	v15 =	vshra.s32 v40, $0x1F;
	[tilespmem:v30+s13+$0x0] =	vst.idx.add.s32.msk $0xffff, v2  }
0x5a: {  	v13 =	vxor.u32 v31, v5;
	v5 =	vor.u32 $0x80000000, v15;
	v15 =	vshra.s32 v42, $0x1F;
	[tilespmem:v29+s13+$0x0] =	vst.idx.add.s32.msk $0xffff, v2  }
0x5b: {  	v14 =	vxor.u32 v36, v14;
	v22 =	vor.u32 $0x80000000, v15;
	v29 =	vshra.s32 v43, $0x1F;
	[tilespmem:v28+s13+$0x0] =	vst.idx.add.s32.msk $0xffff, v2  }
0x5c: {  	v15 =	vxor.u32 v37, v9;
	v9 =	vxor.u32 v38, v10;
	v28 =	vor.u32 $0x80000000, v29;
	[tilespmem:v32+s13+$0x0] =	vst.idx.add.s32.msk $0xffff, v2  }
0x5d: {  	v10 =	vxor.u32 v40, v5;
	v5 =	vxor.u32 v42, v22;
	v29 =	vshra.s32 v24, $0x1F;
	[tilespmem:v27+s13+$0x0] =	vst.idx.add.s32.msk $0xffff, v2  }
0x5e: {  	v27 =	vshrl.u32 v6, $0x14;
	v6 =	vxor.u32 v43, v28;
	v22 =	vor.u32 $0x80000000, v29;
	[tilespmem:v26+s13+$0x0] =	vst.idx.add.s32.msk $0xffff, v2  }
0x5f: {  	v26 =	vshrl.u32 v41, $0x14;
	v22 =	vxor.u32 v24, v22;
	v24 =	vshrl.u32 v39, $0x14;
	[tilespmem:v25+s13+$0x0] =	vst.idx.add.s32.msk $0xffff, v2  }
0x60: {  	v31 =	vshrl.u32 v7, $0x14;
	v32 =	vshrl.u32 v8, $0x14;
	v25 =	vshrl.u32 v22, $0x14;
	[tilespmem:v21+s13+$0x0] =	vst.idx.add.s32.msk $0xffff, v2  }
0x61: {  	v34 =	vshrl.u32 v11, $0x14;
	v35 =	vshrl.u32 v12, $0x14;
	v36 =	vshrl.u32 v13, $0x14;
	[tilespmem:v33+s13+$0x0] =	vst.idx.add.s32.msk $0xffff, v2  }
0x62: {  	v37 =	vshrl.u32 v15, $0x14;
	v38 =	vshrl.u32 v9, $0x14;
	v33 =	vshrl.u32 v14, $0x14;
	[tilespmem:v23+s13+$0x0] =	vst.idx.add.s32.msk $0xffff, v2  }
0x63: {  	v40 =	vshrl.u32 v5, $0x14;
	v41 =	vshrl.u32 v6, $0x14;
	v39 =	vshrl.u32 v10, $0x14;
	[tilespmem:v20+s13+$0x0] =	vst.idx.add.s32.msk $0xffff, v2  }
.Ltmp1:
0x64: {  	v29 =	vand.u32 $0xFF0, v27;
	v28 =	vand.u32 $0xFF0, v24;
	v30 =	vand.u32 $0xFF0, v25;
	[tilespmem:v19+s13+$0x0] =	vst.idx.add.s32.msk $0xffff, v2;
	(pc) =	sbr.rel @p0 .LBB2_5-.Ltmp1, $4  }
0x65: {  	v27 =	vand.u32 $0xFF0, v32;
	v21 =	vand.u32 $0xFF0, v26;
	v19 =	vand.u32 $0xFF0, v31;
	[tilespmem:v18+s13+$0x0] =	vst.idx.add.s32.msk $0xffff, v2  }
0x66: {  	v26 =	vand.u32 $0xFF0, v34;
	v25 =	vand.u32 $0xFF0, v35;
	v20 =	vand.u32 $0xFF0, v36;
	[tilespmem:v17+s13+$0x0] =	vst.idx.add.s32.msk $0xffff, v2  }
0x67: {  	v23 =	vand.u32 $0xFF0, v33;
	v18 =	vand.u32 $0xFF0, v37;
	v17 =	vand.u32 $0xFF0, v38;
	[tilespmem:v16+s13+$0x0] =	vst.idx.add.s32.msk $0xffff, v2  }
0x68: {  	s22 =	sadd.s32 $0x100, s22;
	v24 =	vand.u32 $0xFF0, v39;
	v16 =	vand.u32 $0xFF0, v41;
	[tilespmem:s19+$0xFFFFFF80] =	vst v22;
	v22 =	vand.u32 $0xFF0, v40  }
0x69: {  	[tilespmem:s19+$0xFFFFFFC0] =	vst v7  }
0x6a: {  	[tilespmem:s19+$0xFFFFFFD0] =	vst v8  }
0x6b: {  	[tilespmem:s19+$0xFFFFFFE0] =	vst v11  }
0x6c: {  	[tilespmem:s19+$0xFFFFFFF0] =	vst v12  }
0x6d: {  	[tilespmem:s19+$0x0] =	vst v13  }
0x6e: {  	[tilespmem:s19+$0x10] =	vst v14  }
0x6f: {  	v7 =	vor.u32 v0, v30;
	[tilespmem:s19+$0x20] =	vst v15  }
0x70: {  	v8 =	vor.u32 v3, v29;
	[tilespmem:s19+$0x30] =	vst v9  }
0x71: {  	v9 =	vor.u32 v0, v28;
	[tilespmem:s19+$0x40] =	vst v10  }
0x72: {  	v10 =	vor.u32 v3, v21;
	[tilespmem:s19+$0x50] =	vst v5  }
0x73: {  	v5 =	vor.u32 v3, v27;
	[tilespmem:s19+$0x60] =	vst v6  }
0x74: {  	v6 =	vor.u32 v0, v26;
	[tilespmem:v7+s13+$0x0] =	vst.idx.add.s32.msk $0xffff, v2  }
0x75: {  	v7 =	vor.u32 v3, v25;
	[tilespmem:v8+s13+$0x0] =	vst.idx.add.s32.msk $0xffff, v2  }
0x76: {  	v8 =	vor.u32 v0, v19;
	[tilespmem:v9+s13+$0x0] =	vst.idx.add.s32.msk $0xffff, v2  }
0x77: {  	v9 =	vor.u32 v0, v20;
	[tilespmem:v10+s13+$0x0] =	vst.idx.add.s32.msk $0xffff, v2  }
0x78: {  	v10 =	vor.u32 v3, v23;
	[tilespmem:v5+s13+$0x0] =	vst.idx.add.s32.msk $0xffff, v2  }
0x79: {  	v5 =	vor.u32 v0, v18;
	[tilespmem:v6+s13+$0x0] =	vst.idx.add.s32.msk $0xffff, v2  }
0x7a: {  	v6 =	vor.u32 v3, v17;
	[tilespmem:v7+s13+$0x0] =	vst.idx.add.s32.msk $0xffff, v2  }
0x7b: {  	v7 =	vor.u32 v0, v24;
	[tilespmem:v8+s13+$0x0] =	vst.idx.add.s32.msk $0xffff, v2  }
0x7c: {  	v8 =	vor.u32 v3, v22;
	[tilespmem:v9+s13+$0x0] =	vst.idx.add.s32.msk $0xffff, v2  }
0x7d: {  	v9 =	vor.u32 v0, v16;
	[tilespmem:v10+s13+$0x0] =	vst.idx.add.s32.msk $0xffff, v2  }
0x7e: {  	[tilespmem:v5+s13+$0x0] =	vst.idx.add.s32.msk $0xffff, v2  }
0x7f: {  	[tilespmem:v6+s13+$0x0] =	vst.idx.add.s32.msk $0xffff, v2  }
0x80: {  	[tilespmem:v7+s13+$0x0] =	vst.idx.add.s32.msk $0xffff, v2  }
0x81: {  	[tilespmem:v8+s13+$0x0] =	vst.idx.add.s32.msk $0xffff, v2  }
0x82: {  	[tilespmem:v9+s13+$0x0] =	vst.idx.add.s32.msk $0xffff, v2  }
0x83: {  	v5 =	vld [tilespmem:s20+$0xFFFFF030]  }
0x84: {  	v6 =	vld [tilespmem:s20+$0x30];
	_ =	sdelay $0x1  }
0x85: {  	v7 =	vld [tilespmem:s20+$0xFFFFF020]  }
0x86: {  	v8 =	vld [tilespmem:s20+$0x20]  }
0x87: {  	v9 =	vld [tilespmem:s20+$0xFFFFF010];
	v5 =	vadd.s32 v4, v5  }
0x88: {  	v11 =	vadd.s32 v6, v5  }
0x89: {  	vm0 =	veq.s32 v4, $0x0;
	v10 =	vld [tilespmem:s20+$0x10];
	vm1 =	vgt.s32 v11, $0x7F  }
0x8a: {  	[tilespmem:s20+$0xFFFFF030] =	vst v1;
	v12 =	vld [tilespmem:s20+$0xFFFFF000];
	v5 =	vadd.s32 v7, v11;
	vm0 =	vmand vm0, vm1  }
0x8b: {  	[tilespmem:s20+$0x30] =	vst v1;
	v7 =	vld [tilespmem:s20+$0x0];
	v6 =	vadd.s32 v8, v5;
	v5 =	vsel vm0, $0x1, v1  }
0x8c: {  	[tilespmem:s20+$0xFFFFF020] =	vst v1;
	v8 =	vadd.s32 v9, v6;
	v9 =	vor.u32 v5, v4  }
0x8d: {  	[tilespmem:s20+$0x20] =	vst v1;
	vm2 =	vgt.s32 v6, $0x7F;
	v62 =	vsel vm0, s18, v4;
	vm3 =	veq.s32 v9, $0x0  }
0x8e: {  	[tilespmem:s20+$0xFFFFF010] =	vst v1;
	v5 =	vadd.s32 v10, v8;
	v8 =	vsel vm0, v4, v4;
	vm2 =	vmand vm3, vm2  }
0x8f: {  	[tilespmem:s20+$0x10] =	vst v1;
	vm1 =	vgt.s32 v5, $0x7F;
	v10 =	vadd.s32 v12, v5;
	v63 =	vsel vm2, $0x1, v1  }
0x90: {  	s21 =	simm.s32 $0xFE;
	[tilespmem:s20+$0xFFFFF000] =	vst v1;
	v4 =	vadd.s32 v7, v10;
	v7 =	vsel vm2, v11, v8;
	v8 =	vor.u32 v63, v9  }
0x91: {  	s19 =	simm.s32 $0x0;
	[tilespmem:s20+$0x0] =	vst v1;
	s20 =	simm.s32 $0x11F80;
	vm0 =	vgt.s32 v4, $0x7F;
	v9 =	vsel vm2, s21, v62;
	vm2 =	veq.s32 v8, $0x0  }
.LBB2_7:
0x92: {  	v10 =	vld [tilespmem:s20+$0xFFFFF030];
	[tilespmem:s20+$0xFFFFF030] =	vst v1;
	s19 =	sadd.s32 $0x4, s19;
	s21 =	sadd.s32 $0xFFFFFFFE, s18;
	vm1 =	vmand vm2, vm1  }
0x93: {  	v11 =	vld [tilespmem:s20+$0x30];
	[tilespmem:s20+$0x30] =	vst v1;
	p0 =	slt.u32 s19, $0xFC;
	v9 =	vsel vm1, s21, v9;
	v6 =	vsel vm1, v6, v7;
	v7 =	vsel vm1, $0x1, v1  }
0x94: {  	v12 =	vld [tilespmem:s20+$0xFFFFF020];
	[tilespmem:s20+$0xFFFFF020] =	vst v1;
	v7 =	vor.u32 v7, v8  }
0x95: {  	v8 =	vld [tilespmem:s20+$0x20];
	[tilespmem:s20+$0x20] =	vst v1;
	vm1 =	veq.s32 v7, $0x0  }
0x96: {  	v13 =	vld [tilespmem:s20+$0xFFFFF010];
	[tilespmem:s20+$0xFFFFF010] =	vst v1;
	vm0 =	vmand vm1, vm0  }
0x97: {  	s21 =	sadd.s32 $0xFFFFFFFD, s18;
	v10 =	vadd.s32 v4, v10;
	v14 =	vld [tilespmem:s20+$0x10];
	[tilespmem:s20+$0x10] =	vst v1;
	v5 =	vsel vm0, v5, v6;
	v6 =	vsel vm0, $0x1, v1  }
0x98: {  	v9 =	vsel vm0, s21, v9;
	v10 =	vadd.s32 v11, v10;
	v11 =	vld [tilespmem:s20+$0xFFFFF000];
	[tilespmem:s20+$0xFFFFF000] =	vst v1;
	v7 =	vor.u32 v6, v7  }
0x99: {  	vm0 =	veq.s32 v7, $0x0;
	vm1 =	vgt.s32 v10, $0x7F;
	v6 =	vadd.s32 v12, v10;
	v12 =	vld [tilespmem:s20+$0x0];
	[tilespmem:s20+$0x0] =	vst v1  }
0x9a: {  	vm0 =	vmand vm0, vm1;
	v6 =	vadd.s32 v8, v6  }
0x9b: {  	v8 =	vsel vm0, v4, v5;
	v4 =	vsel vm0, $0x1, v1;
	v5 =	vadd.s32 v13, v6  }
0x9c: {  	vm2 =	vgt.s32 v6, $0x7F;
	v13 =	vor.u32 v4, v7;
	v5 =	vadd.s32 v14, v5  }
.Ltmp2:
0x9d: {  	s18 =	sadd.s32 $0xFFFFFFFC, s18;
	vm3 =	veq.s32 v13, $0x0;
	vm1 =	vgt.s32 v5, $0x7F;
	v4 =	vadd.s32 v11, v5;
	(pc) =	sbr.rel @p0 .LBB2_7-.Ltmp2, $4  }
0x9e: {  	v9 =	vsel vm0, s18, v9;
	vm2 =	vmand vm3, vm2;
	v4 =	vadd.s32 v12, v4  }
0x9f: {  	s21 =	sadd.s32 $0xFFFFFFFF, s18;
	v7 =	vsel vm2, v10, v8;
	v8 =	vsel vm2, $0x1, v1;
	vm0 =	vgt.s32 v4, $0x7F  }
0xa0: {  	v9 =	vsel vm2, s21, v9;
	v8 =	vor.u32 v8, v13  }
0xa1: {  	s20 =	sadd.s32 $0xFFFFFFC0, s20;
	vm2 =	veq.s32 v8, $0x0  }
0xa2: {  	s19 =	simm.s32 $0x80  }
0xa3: {  	v11 =	vld [tilespmem:s19+$0xFFFFFFE0]  }
0xa4: {  	v12 =	vld [tilespmem:s19+$0x60]  }
0xa5: {  	vm1 =	vmand vm2, vm1;
	v13 =	vld [tilespmem:s19+$0x30]  }
0xa6: {  	v4 =	vsel vm1, $0x1, v1;
	v14 =	vld [tilespmem:s19+$0x20]  }
0xa7: {  	v15 =	vld [tilespmem:s19+$0xFFFFFFC0];
	v4 =	vor.u32 v4, v8  }
0xa8: {  	s20 =	sadd.s32 $0xFFFFFFFE, s18;
	v17 =	vld [tilespmem:s19+$0x40];
	vm2 =	veq.s32 v4, $0x0  }
0xa9: {  	s31 =	sadd.s32 $0xFFFFFFFD, s18;
	v9 =	vsel vm1, s20, v9;
	v19 =	vld [tilespmem:s19+$0xFFFFFFB0];
	v4 =	vsel vm1, v6, v7;
	vm0 =	vmand vm2, vm0  }
0xaa: {  	v8 =	vld [tilespmem:s19+$0x70];
	v4 =	vsel vm0, v5, v4;
	v5 =	vsel vm0, s31, v9  }
0xab: {  	v10 =	vld [tilespmem:s19+$0xFFFFFFA0];
	v7 =	vshrl.u32 v11, $0xC;
	v16 =	vshrl.u32 v12, $0xC;
	v6 =	vshrl.u32 v13, $0xC  }
0xac: {  	v29 =	vshrl.u32 v12, $0x18;
	v18 =	vshrl.u32 v14, $0x18;
	v14 =	vshrl.u32 v14, $0xC  }
0xad: {  	v27 =	vshrl.u32 v15, $0xC;
	v15 =	vshrl.u32 v15, $0x18;
	v22 =	vshrl.u32 v17, $0x18  }
0xae: {  	v24 =	vshrl.u32 v19, $0x18;
	v31 =	vshrl.u32 v19, $0xC;
	v6 =	vand.u32 $0xFF0, v6  }
0xaf: {  	v9 =	vld [tilespmem:s19+$0xFFFFFFD0];
	v20 =	vshrl.u32 v8, $0xC;
	v16 =	vand.u32 $0xFF0, v16;
	v21 =	vshrl.u32 v8, $0x18  }
0xb0: {  	v12 =	vld [tilespmem:s19+$0xFFFFFF90];
	vm2 =	veq.s32 v15, v5;
	v15 =	vshrl.u32 v17, $0xC;
	v17 =	vshrl.u32 v10, $0xC  }
0xb1: {  	v23 =	vand.u32 $0xFF0, v14;
	vm1 =	veq.s32 v24, v5;
	v24 =	vshrl.u32 v10, $0x18  }
0xb2: {  	vm6 =	veq.s32 v29, v5;
	v30 =	vand.u32 $0xFF0, v20;
	v25 =	vand.u32 $0xFF0, v15  }
0xb3: {  	v17 =	vand.u32 $0xFF0, v17;
	v15 =	vshrl.u32 v11, $0x18;
	vm5 =	veq.s32 v21, v5  }
0xb4: {  	v26 =	vld [tilespmem:s19+$0x50];
	v10 =	vor.u32 v0, v17;
	v21 =	vor.u32 v3, v30;
	v17 =	vand.u32 $0xFF0, v31  }
0xb5: {  	v14 =	vld [tilespmem:s19+$0x10];
	v8 =	vshrl.u32 v9, $0x18;
	v9 =	vshrl.u32 v9, $0xC;
	v20 =	vshrl.u32 v12, $0x18  }
0xb6: {  	v28 =	vld [tilespmem:s19+$0xFFFFFF80];
	v9 =	vand.u32 $0xFF0, v9;
	v19 =	vshrl.u32 v12, $0xC;
	vm0 =	veq.s32 v20, v5  }
0xb7: {  	v12 =	vld [tilespmem:s19+$0x0];
	v20 =	vshrl.u32 v13, $0x18;
	v11 =	vand.u32 $0xFF0, v19;
	v13 =	vand.u32 $0xFF0, v27  }
0xb8: {  	s18 =	simm.s32 $0x0;
	v19 =	vor.u32 v0, v16;
	v27 =	vld [tilespmem:s19+$0xFFFFFFF0];
	s19 =	simm.s32 $0x180;
	v11 =	vor.u32 v3, v11;
	v13 =	vor.u32 v0, v13  }
.LBB2_9:
0xb9: {  	v16 =	vld [tilespmem:s19+$0xFFFFFFA0];
	s18 =	sadd.s32 $0x10, s18;
	vm3 =	veq.s32 v24, v5;
	vm9 =	veq.s32 v22, v5;
	vm4 =	vmmov vm2  }
0xba: {  	v22 =	vand.u32 $0xFF0, v7;
	v7 =	vshrl.u32 v14, $0x18;
	vm8 =	veq.s32 v18, v5;
	v24 =	vld [tilespmem:s19+$0xFFFFFF90];
	p0 =	slt.u32 s18, $0xFF0  }
0xbb: {  	v18 =	vor.u32 v0, v23;
	v23 =	vor.u32 v0, v25;
	vm7 =	veq.s32 v7, v5;
	v29 =	vld [tilespmem:s19+$0xFFFFFFE0]  }
0xbc: {  	v14 =	vshrl.u32 v14, $0xC;
	v25 =	vld [tilespmem:s19+$0x70];
	v30 =	vshrl.u32 v28, $0x18;
	v7 =	vshrl.u32 v28, $0xC  }
0xbd: {  	v14 =	vand.u32 $0xFF0, v14;
	v31 =	vshrl.u32 v26, $0x18;
	v26 =	vshrl.u32 v26, $0xC;
	v28 =	vld [tilespmem:s19+$0x20]  }
0xbe: {  	v33 =	vor.u32 v3, v14;
	vm2 =	veq.s32 v31, v5;
	v14 =	vand.u32 $0xFF0, v26;
	v32 =	vld [tilespmem:s19+$0x60]  }
0xbf: {  	v31 =	vand.u32 $0xFF0, v7;
	v34 =	vshrl.u32 v27, $0x18;
	v35 =	vor.u32 v3, v14;
	v26 =	vld [tilespmem:s19+$0x0]  }
0xc0: {  	v37 =	vshrl.u32 v12, $0xC;
	v27 =	vshrl.u32 v27, $0xC;
	v7 =	vshrl.u32 v29, $0xC;
	v36 =	vld [tilespmem:s19+$0x30]  }
0xc1: {  	v38 =	vor.u32 v0, v22;
	v22 =	vand.u32 $0xFF0, v27;
	v27 =	vand.u32 $0xFF0, v37;
	v14 =	vld [tilespmem:s19+$0x10]  }
0xc2: {  	vm11 =	veq.s32 v20, v5;
	vm10 =	veq.s32 v34, v5;
	[tilespmem:v23+s13+$0x0] =	vst.idx.add.s32.msk vm9, v2  }
0xc3: {  	v22 =	vor.u32 v3, v22;
	v20 =	vshrl.u32 v32, $0xC;
	[tilespmem:v21+s13+$0x0] =	vst.idx.add.s32.msk vm5, v2  }
0xc4: {  	v23 =	vor.u32 v3, v6;
	v21 =	vshrl.u32 v12, $0x18;
	[tilespmem:v19+s13+$0x0] =	vst.idx.add.s32.msk vm6, v2;
	v12 =	vmov v26  }
0xc5: {  	vm5 =	veq.s32 v15, v5;
	vm6 =	veq.s32 v21, v5;
	v6 =	vshrl.u32 v36, $0xC;
	[tilespmem:v18+s13+$0x0] =	vst.idx.add.s32.msk vm8, v2  }
0xc6: {  	v17 =	vor.u32 v3, v17;
	vm8 =	veq.s32 v30, v5;
	v15 =	vld [tilespmem:s19+$0xFFFFFFC0];
	v6 =	vand.u32 $0xFF0, v6  }
0xc7: {  	v21 =	vor.u32 v0, v31;
	v19 =	vld [tilespmem:s19+$0xFFFFFFB0]  }
0xc8: {  	v26 =	vor.u32 v0, v27;
	[tilespmem:v33+s13+$0x0] =	vst.idx.add.s32.msk vm7, v2  }
0xc9: {  	[tilespmem:v23+s13+$0x0] =	vst.idx.add.s32.msk vm11, v2  }
0xca: {  	v27 =	vshrl.u32 v25, $0xC;
	vm7 =	veq.s32 v8, v5;
	v23 =	vld [tilespmem:s19+$0xFFFFFFD0]  }
0xcb: {  	v31 =	vshrl.u32 v32, $0x18;
	v32 =	vand.u32 $0xFF0, v20;
	v33 =	vshrl.u32 v25, $0x18;
	v30 =	vld [tilespmem:s19+$0x40]  }
0xcc: {  	v20 =	vshrl.u32 v28, $0xC;
	v18 =	vshrl.u32 v28, $0x18;
	v25 =	vor.u32 v3, v9;
	[tilespmem:v22+s13+$0x0] =	vst.idx.add.s32.msk vm10, v2  }
0xcd: {  	v27 =	vand.u32 $0xFF0, v27;
	v34 =	vshrl.u32 v15, $0xC;
	[tilespmem:v26+s13+$0x0] =	vst.idx.add.s32.msk vm6, v2  }
0xce: {  	[tilespmem:v21+s13+$0x0] =	vst.idx.add.s32.msk vm8, v2  }
0xcf: {  	v9 =	vshrl.u32 v15, $0x18;
	v8 =	vshrl.u32 v23, $0x18;
	v15 =	vshrl.u32 v23, $0xC;
	[tilespmem:v35+s13+$0x0] =	vst.idx.add.s32.msk vm2, v2  }
0xd0: {  	vm2 =	veq.s32 v9, v5;
	v22 =	vshrl.u32 v30, $0x18;
	v21 =	vshrl.u32 v30, $0xC;
	[tilespmem:v38+s13+$0x0] =	vst.idx.add.s32.msk vm5, v2  }
0xd1: {  	v28 =	vshrl.u32 v19, $0x18;
	v26 =	vshrl.u32 v16, $0xC;
	v9 =	vand.u32 $0xFF0, v15;
	[tilespmem:v25+s13+$0x0] =	vst.idx.add.s32.msk vm7, v2  }
0xd2: {  	v23 =	vand.u32 $0xFF0, v20;
	v15 =	vshrl.u32 v24, $0x18;
	v30 =	vshrl.u32 v19, $0xC;
	[tilespmem:v11+s13+$0x0] =	vst.idx.add.s32.msk vm0, v2  }
0xd3: {  	v25 =	vand.u32 $0xFF0, v21;
	vm0 =	veq.s32 v15, v5;
	v11 =	vshrl.u32 v24, $0xC;
	[tilespmem:v13+s13+$0x0] =	vst.idx.add.s32.msk vm4, v2  }
.Ltmp3:
0xd4: {  	v20 =	vshrl.u32 v36, $0x18;
	v15 =	vshrl.u32 v29, $0x18;
	v13 =	vand.u32 $0xFF0, v26;
	[tilespmem:v10+s13+$0x0] =	vst.idx.add.s32.msk vm3, v2;
	(pc) =	sbr.rel @p0 .LBB2_9-.Ltmp3, $4  }
0xd5: {  	vm5 =	veq.s32 v33, v5;
	v10 =	vand.u32 $0xFF0, v11;
	[tilespmem:v17+s13+$0x0] =	vst.idx.add.s32.msk vm1, v2;
	vm1 =	veq.s32 v28, v5  }
0xd6: {  	v19 =	vor.u32 v0, v32;
	v24 =	vshrl.u32 v16, $0x18;
	v11 =	vor.u32 v3, v10;
	v26 =	vld [tilespmem:s19+$0x50]  }
0xd7: {  	v21 =	vor.u32 v3, v27;
	v10 =	vor.u32 v0, v13;
	v13 =	vand.u32 $0xFF0, v34;
	v28 =	vld [tilespmem:s19+$0xFFFFFF80]  }
0xd8: {  	vm6 =	veq.s32 v31, v5;
	v17 =	vand.u32 $0xFF0, v30;
	v13 =	vor.u32 v0, v13;
	v27 =	vld [tilespmem:s19+$0xFFFFFFF0];
	s19 =	sadd.s32 $0x100, s19  }
0xd9: {  	_ = 	snop  }
0xda: {  	vm4 =	veq.s32 v22, v5;
	v16 =	vshrl.u32 v14, $0x18  }
0xdb: {  	vm7 =	veq.s32 v18, v5;
	v45 =	vor.u32 v0, v23;
	v46 =	vor.u32 v0, v25  }
0xdc: {  	v48 =	vshrl.u32 v14, $0xC;
	vm9 =	veq.s32 v20, v5;
	v54 =	vshrl.u32 v12, $0xC  }
0xdd: {  	v55 =	vshrl.u32 v12, $0x18;
	v6 =	vor.u32 v3, v6;
	v7 =	vand.u32 $0xFF0, v7  }
0xde: {  	[tilespmem:v21+s13+$0x0] =	vst.idx.add.s32.msk vm5, v2;
	vm14 =	veq.s32 v15, v5;
	vm2 =	vmmov vm2;
	vm15 =	veq.s32 v24, v5  }
0xdf: {  	[tilespmem:v19+s13+$0x0] =	vst.idx.add.s32.msk vm6, v2;
	vm3 =	veq.s32 v16, v5;
	v14 =	vand.u32 $0xFF0, v48;
	v7 =	vor.u32 v0, v7  }
0xe0: {  	[tilespmem:v11+s13+$0x0] =	vst.idx.add.s32.msk vm0, v2;
	v56 =	vand.u32 $0xFF0, v54;
	vm11 =	veq.s32 v55, v5;
	v51 =	vshrl.u32 v26, $0x18  }
0xe1: {  	v52 =	vshrl.u32 v26, $0xC;
	v14 =	vor.u32 v3, v14;
	v18 =	vor.u32 v0, v56;
	[tilespmem:v46+s13+$0x0] =	vst.idx.add.s32.msk vm4, v2  }
0xe2: {  	v47 =	vshrl.u32 v28, $0x18;
	v50 =	vshrl.u32 v28, $0xC;
	vm13 =	veq.s32 v51, v5;
	[tilespmem:v45+s13+$0x0] =	vst.idx.add.s32.msk vm7, v2  }
0xe3: {  	v59 =	vand.u32 $0xFF0, v52;
	v49 =	vshrl.u32 v27, $0x18;
	v53 =	vshrl.u32 v27, $0xC;
	[tilespmem:v6+s13+$0x0] =	vst.idx.add.s32.msk vm9, v2  }
0xe4: {  	v58 =	vand.u32 $0xFF0, v50;
	vm12 =	veq.s32 v47, v5;
	v60 =	vor.u32 v3, v59;
	[tilespmem:v7+s13+$0x0] =	vst.idx.add.s32.msk vm14, v2  }
0xe5: {  	vm8 =	veq.s32 v49, v5;
	v27 =	vand.u32 $0xFF0, v53;
	v12 =	vor.u32 v0, v58;
	[tilespmem:v13+s13+$0x0] =	vst.idx.add.s32.msk vm2, v2  }
0xe6: {  	v57 =	vor.u32 v3, v27;
	[tilespmem:v10+s13+$0x0] =	vst.idx.add.s32.msk vm15, v2  }
0xe7: {  	[tilespmem:v14+s13+$0x0] =	vst.idx.add.s32.msk vm3, v2;
	vm3 =	veq.s32 v8, v5;
	v8 =	vor.u32 v3, v17  }
0xe8: {  	v6 =	vor.u32 v3, v9;
	[tilespmem:v18+s13+$0x0] =	vst.idx.add.s32.msk vm11, v2  }
0xe9: {  	[tilespmem:v60+s13+$0x0] =	vst.idx.add.s32.msk vm13, v2  }
0xea: {  	[tilespmem:v12+s13+$0x0] =	vst.idx.add.s32.msk vm12, v2  }
0xeb: {  	[tilespmem:v57+s13+$0x0] =	vst.idx.add.s32.msk vm8, v2  }
0xec: {  	[tilespmem:v8+s13+$0x0] =	vst.idx.add.s32.msk vm1, v2  }
0xed: {  	s19 =	simm.s32 $0x11FC0;
	[tilespmem:v6+s13+$0x0] =	vst.idx.add.s32.msk vm3, v2  }
0xee: {  	v6 =	vld [tilespmem:s19+$0xFFFFF030]  }
0xef: {  	v7 =	vld [tilespmem:s19+$0x30];
	_ =	sdelay $0x1  }
0xf0: {  	v8 =	vld [tilespmem:s19+$0xFFFFF020]  }
0xf1: {  	v9 =	vimm.s32 $0x0;
	v10 =	vld [tilespmem:s19+$0x20]  }
0xf2: {  	v11 =	vld [tilespmem:s19+$0xFFFFF010];
	v6 =	vadd.s32 v9, v6  }
0xf3: {  	v4 =	vsub.s32 $0x80, v4;
	v61 =	vadd.s32 v7, v6  }
0xf4: {  	vm0 =	veq.s32 v9, $0x0;
	v12 =	vld [tilespmem:s19+$0x10];
	vm1 =	vge.s32 v61, v4  }
0xf5: {  	[tilespmem:s19+$0xFFFFF030] =	vst v1;
	v14 =	vld [tilespmem:s19+$0xFFFFF000];
	v6 =	vadd.s32 v8, v61;
	vm0 =	vmand vm0, vm1  }
0xf6: {  	[tilespmem:s19+$0x30] =	vst v1;
	v8 =	vld [tilespmem:s19+$0x0];
	v7 =	vadd.s32 v10, v6;
	v6 =	vsel vm0, $0x1, v1  }
0xf7: {  	s18 =	simm.s32 $0xFF;
	[tilespmem:s19+$0xFFFFF020] =	vst v1;
	v10 =	vadd.s32 v11, v7;
	v11 =	vor.u32 v6, v9  }
0xf8: {  	[tilespmem:s19+$0x20] =	vst v1;
	vm2 =	vge.s32 v7, v4;
	v62 =	vsel vm0, s18, v9;
	vm3 =	veq.s32 v11, $0x0  }
0xf9: {  	[tilespmem:s19+$0xFFFFF010] =	vst v1;
	v6 =	vadd.s32 v12, v10;
	v10 =	vsel vm0, v9, v9;
	vm2 =	vmand vm3, vm2  }
0xfa: {  	[tilespmem:s19+$0x10] =	vst v1;
	vm1 =	vge.s32 v6, v4;
	v12 =	vadd.s32 v14, v6;
	v63 =	vsel vm2, $0x1, v1  }
0xfb: {  	s20 =	simm.s32 $0xFE;
	[tilespmem:s19+$0xFFFFF000] =	vst v1;
	v8 =	vadd.s32 v8, v12;
	v9 =	vsel vm2, v61, v10;
	v10 =	vor.u32 v63, v11  }
0xfc: {  	[tilespmem:s19+$0x0] =	vst v1;
	s19 =	simm.s32 $0x0;
	vm0 =	vge.s32 v8, v4;
	v11 =	vsel vm2, s20, v62;
	s20 =	simm.s32 $0x11F80;
	vm2 =	veq.s32 v10, $0x0  }
.LBB2_11:
0xfd: {  	v12 =	vld [tilespmem:s20+$0xFFFFF030];
	[tilespmem:s20+$0xFFFFF030] =	vst v1;
	s19 =	sadd.s32 $0x4, s19;
	s21 =	sadd.s32 $0xFFFFFFFE, s18;
	vm1 =	vmand vm2, vm1  }
0xfe: {  	v13 =	vld [tilespmem:s20+$0x30];
	[tilespmem:s20+$0x30] =	vst v1;
	p0 =	slt.u32 s19, $0xFC;
	v11 =	vsel vm1, s21, v11;
	v7 =	vsel vm1, v7, v9;
	v9 =	vsel vm1, $0x1, v1  }
0xff: {  	v14 =	vld [tilespmem:s20+$0xFFFFF020];
	[tilespmem:s20+$0xFFFFF020] =	vst v1;
	v9 =	vor.u32 v9, v10  }
0x100: {  	v10 =	vld [tilespmem:s20+$0x20];
	[tilespmem:s20+$0x20] =	vst v1;
	vm1 =	veq.s32 v9, $0x0  }
0x101: {  	v15 =	vld [tilespmem:s20+$0xFFFFF010];
	[tilespmem:s20+$0xFFFFF010] =	vst v1;
	vm0 =	vmand vm1, vm0  }
0x102: {  	s21 =	sadd.s32 $0xFFFFFFFD, s18;
	v12 =	vadd.s32 v8, v12;
	v16 =	vld [tilespmem:s20+$0x10];
	[tilespmem:s20+$0x10] =	vst v1;
	v6 =	vsel vm0, v6, v7;
	v7 =	vsel vm0, $0x1, v1  }
0x103: {  	v11 =	vsel vm0, s21, v11;
	v12 =	vadd.s32 v13, v12;
	v13 =	vld [tilespmem:s20+$0xFFFFF000];
	[tilespmem:s20+$0xFFFFF000] =	vst v1;
	v9 =	vor.u32 v7, v9  }
0x104: {  	vm0 =	veq.s32 v9, $0x0;
	vm1 =	vge.s32 v12, v4;
	v7 =	vadd.s32 v14, v12;
	v14 =	vld [tilespmem:s20+$0x0];
	[tilespmem:s20+$0x0] =	vst v1  }
0x105: {  	vm0 =	vmand vm0, vm1;
	v7 =	vadd.s32 v10, v7  }
0x106: {  	v10 =	vsel vm0, v8, v6;
	v6 =	vsel vm0, $0x1, v1;
	v8 =	vadd.s32 v15, v7  }
0x107: {  	vm2 =	vge.s32 v7, v4;
	v15 =	vor.u32 v6, v9;
	v6 =	vadd.s32 v16, v8  }
.Ltmp4:
0x108: {  	s18 =	sadd.s32 $0xFFFFFFFC, s18;
	vm3 =	veq.s32 v15, $0x0;
	vm1 =	vge.s32 v6, v4;
	v8 =	vadd.s32 v13, v6;
	(pc) =	sbr.rel @p0 .LBB2_11-.Ltmp4, $4  }
0x109: {  	v11 =	vsel vm0, s18, v11;
	vm2 =	vmand vm3, vm2;
	v8 =	vadd.s32 v14, v8  }
0x10a: {  	s21 =	sadd.s32 $0xFFFFFFFF, s18;
	v9 =	vsel vm2, v12, v10;
	v10 =	vsel vm2, $0x1, v1;
	vm0 =	vge.s32 v8, v4  }
0x10b: {  	v11 =	vsel vm2, s21, v11;
	v10 =	vor.u32 v10, v15  }
0x10c: {  	s20 =	sadd.s32 $0xFFFFFFC0, s20;
	vm2 =	veq.s32 v10, $0x0  }
0x10d: {  	s19 =	simm.s32 $0x80  }
0x10e: {  	v12 =	vld [tilespmem:s19+$0xFFFFFFE0]  }
0x10f: {  	vm1 =	vmand vm2, vm1;
	v13 =	vld [tilespmem:s19+$0x60]  }
0x110: {  	v8 =	vsel vm1, $0x1, v1;
	v15 =	vld [tilespmem:s19+$0x30]  }
0x111: {  	v16 =	vld [tilespmem:s19+$0xFFFFFFC0];
	v8 =	vor.u32 v8, v10  }
0x112: {  	s20 =	sadd.s32 $0xFFFFFFFE, s18;
	v18 =	vld [tilespmem:s19+$0x40];
	vm2 =	veq.s32 v8, $0x0  }
0x113: {  	s31 =	sadd.s32 $0xFFFFFFFD, s18;
	v20 =	vld [tilespmem:s19+$0xFFFFFFB0];
	v8 =	vsel vm1, s20, v11;
	vm0 =	vmand vm2, vm0  }
0x114: {  	v7 =	vsel vm1, v7, v9;
	v9 =	vshll.u32 v5, $0x8;
	v10 =	vld [tilespmem:s19+$0x70];
	v8 =	vsel vm0, s31, v8  }
0x115: {  	v17 =	vld [tilespmem:s19+$0xFFFFFFD0];
	v5 =	vsel vm0, v6, v7;
	v6 =	vor.u32 v9, v8  }
0x116: {  	v14 =	vld [tilespmem:s19+$0xFFFFFFA0];
	v8 =	vshrl.u32 v12, $0x4;
	v9 =	vshrl.u32 v13, $0x4;
	v7 =	vshrl.u32 v15, $0x4  }
0x117: {  	v11 =	vld [tilespmem:s19+$0x20];
	v30 =	vshrl.u32 v13, $0x10;
	v28 =	vshrl.u32 v16, $0x4;
	v23 =	vshrl.u32 v18, $0x10  }
0x118: {  	v27 =	vshrl.u32 v20, $0x10;
	v32 =	vshrl.u32 v20, $0x4;
	v7 =	vand.u32 $0xFF0, v7  }
0x119: {  	v21 =	vshrl.u32 v10, $0x4;
	v22 =	vand.u32 $0xFF0, v9;
	v25 =	vshrl.u32 v10, $0x10  }
0x11a: {  	v10 =	vshrl.u32 v16, $0x10;
	v9 =	vshrl.u32 v17, $0x10;
	v16 =	vshrl.u32 v17, $0x4  }
0x11b: {  	v17 =	vshrl.u32 v18, $0x4;
	v18 =	vshrl.u32 v14, $0x4;
	vm1 =	veq.s32 v27, v6  }
0x11c: {  	v13 =	vld [tilespmem:s19+$0xFFFFFF90];
	vm6 =	veq.s32 v30, v6;
	v19 =	vshrl.u32 v11, $0x10;
	v11 =	vshrl.u32 v11, $0x4  }
0x11d: {  	v31 =	vand.u32 $0xFF0, v21;
	vm2 =	veq.s32 v10, v6;
	v10 =	vand.u32 $0xFF0, v16  }
0x11e: {  	v26 =	vand.u32 $0xFF0, v17;
	v17 =	vand.u32 $0xFF0, v18;
	v21 =	vshrl.u32 v15, $0x10  }
0x11f: {  	v29 =	vld [tilespmem:s19+$0xFFFFFF80];
	vm5 =	veq.s32 v25, v6;
	v25 =	vshrl.u32 v14, $0x10;
	v20 =	vor.u32 v0, v22  }
0x120: {  	v15 =	vld [tilespmem:s19+$0x10];
	v14 =	vand.u32 $0xFF0, v28;
	v18 =	vand.u32 $0xFF0, v32;
	v24 =	vand.u32 $0xFF0, v11  }
0x121: {  	v27 =	vld [tilespmem:s19+$0x50];
	v22 =	vor.u32 v3, v31;
	v16 =	vshrl.u32 v13, $0x10;
	v11 =	vshrl.u32 v13, $0x4  }
0x122: {  	v28 =	vld [tilespmem:s19+$0xFFFFFFF0];
	v14 =	vor.u32 v0, v14;
	vm0 =	veq.s32 v16, v6;
	v11 =	vand.u32 $0xFF0, v11  }
0x123: {  	s18 =	simm.s32 $0x0;
	v13 =	vld [tilespmem:s19+$0x0];
	s19 =	simm.s32 $0x180;
	v16 =	vshrl.u32 v12, $0x10;
	v12 =	vor.u32 v3, v11;
	v11 =	vor.u32 v0, v17  }
.LBB2_13:
0x124: {  	v17 =	vld [tilespmem:s19+$0xFFFFFFA0];
	s18 =	sadd.s32 $0x10, s18;
	vm3 =	veq.s32 v25, v6;
	vm9 =	veq.s32 v23, v6;
	vm4 =	vmmov vm2  }
0x125: {  	v23 =	vand.u32 $0xFF0, v8;
	v8 =	vshrl.u32 v15, $0x10;
	vm8 =	veq.s32 v19, v6;
	v25 =	vld [tilespmem:s19+$0xFFFFFF90];
	p0 =	slt.u32 s18, $0xFF0  }
0x126: {  	v19 =	vor.u32 v0, v24;
	v24 =	vor.u32 v0, v26;
	vm7 =	veq.s32 v8, v6;
	v30 =	vld [tilespmem:s19+$0xFFFFFFE0]  }
0x127: {  	v15 =	vshrl.u32 v15, $0x4;
	v26 =	vld [tilespmem:s19+$0x70];
	v31 =	vshrl.u32 v29, $0x10;
	v8 =	vshrl.u32 v29, $0x4  }
0x128: {  	v15 =	vand.u32 $0xFF0, v15;
	v32 =	vshrl.u32 v27, $0x10;
	v27 =	vshrl.u32 v27, $0x4;
	v29 =	vld [tilespmem:s19+$0x20]  }
0x129: {  	v34 =	vor.u32 v3, v15;
	vm2 =	veq.s32 v32, v6;
	v15 =	vand.u32 $0xFF0, v27;
	v33 =	vld [tilespmem:s19+$0x60]  }
0x12a: {  	v32 =	vand.u32 $0xFF0, v8;
	v35 =	vshrl.u32 v28, $0x10;
	v36 =	vor.u32 v3, v15;
	v27 =	vld [tilespmem:s19+$0x0]  }
0x12b: {  	v38 =	vshrl.u32 v13, $0x4;
	v28 =	vshrl.u32 v28, $0x4;
	v8 =	vshrl.u32 v30, $0x4;
	v37 =	vld [tilespmem:s19+$0x30]  }
0x12c: {  	v39 =	vor.u32 v0, v23;
	v23 =	vand.u32 $0xFF0, v28;
	v28 =	vand.u32 $0xFF0, v38;
	v15 =	vld [tilespmem:s19+$0x10]  }
0x12d: {  	vm11 =	veq.s32 v21, v6;
	vm10 =	veq.s32 v35, v6;
	[tilespmem:v24+s13+$0x0] =	vst.idx.add.s32.msk vm9, v2  }
0x12e: {  	v23 =	vor.u32 v3, v23;
	v21 =	vshrl.u32 v33, $0x4;
	[tilespmem:v22+s13+$0x0] =	vst.idx.add.s32.msk vm5, v2  }
0x12f: {  	v24 =	vor.u32 v3, v7;
	v22 =	vshrl.u32 v13, $0x10;
	[tilespmem:v20+s13+$0x0] =	vst.idx.add.s32.msk vm6, v2;
	v13 =	vmov v27  }
0x130: {  	vm5 =	veq.s32 v16, v6;
	vm6 =	veq.s32 v22, v6;
	v7 =	vshrl.u32 v37, $0x4;
	[tilespmem:v19+s13+$0x0] =	vst.idx.add.s32.msk vm8, v2  }
0x131: {  	v18 =	vor.u32 v3, v18;
	vm8 =	veq.s32 v31, v6;
	v16 =	vld [tilespmem:s19+$0xFFFFFFC0];
	v7 =	vand.u32 $0xFF0, v7  }
0x132: {  	v22 =	vor.u32 v0, v32;
	v20 =	vld [tilespmem:s19+$0xFFFFFFB0]  }
0x133: {  	v27 =	vor.u32 v0, v28;
	[tilespmem:v34+s13+$0x0] =	vst.idx.add.s32.msk vm7, v2  }
0x134: {  	[tilespmem:v24+s13+$0x0] =	vst.idx.add.s32.msk vm11, v2  }
0x135: {  	v28 =	vshrl.u32 v26, $0x4;
	vm7 =	veq.s32 v9, v6;
	v24 =	vld [tilespmem:s19+$0xFFFFFFD0]  }
0x136: {  	v32 =	vshrl.u32 v33, $0x10;
	v33 =	vand.u32 $0xFF0, v21;
	v34 =	vshrl.u32 v26, $0x10;
	v31 =	vld [tilespmem:s19+$0x40]  }
0x137: {  	v21 =	vshrl.u32 v29, $0x4;
	v19 =	vshrl.u32 v29, $0x10;
	v26 =	vor.u32 v3, v10;
	[tilespmem:v23+s13+$0x0] =	vst.idx.add.s32.msk vm10, v2  }
0x138: {  	v28 =	vand.u32 $0xFF0, v28;
	v35 =	vshrl.u32 v16, $0x4;
	[tilespmem:v27+s13+$0x0] =	vst.idx.add.s32.msk vm6, v2  }
0x139: {  	[tilespmem:v22+s13+$0x0] =	vst.idx.add.s32.msk vm8, v2  }
0x13a: {  	v10 =	vshrl.u32 v16, $0x10;
	v9 =	vshrl.u32 v24, $0x10;
	v16 =	vshrl.u32 v24, $0x4;
	[tilespmem:v36+s13+$0x0] =	vst.idx.add.s32.msk vm2, v2  }
0x13b: {  	vm2 =	veq.s32 v10, v6;
	v23 =	vshrl.u32 v31, $0x10;
	v22 =	vshrl.u32 v31, $0x4;
	[tilespmem:v39+s13+$0x0] =	vst.idx.add.s32.msk vm5, v2  }
0x13c: {  	v29 =	vshrl.u32 v20, $0x10;
	v27 =	vshrl.u32 v17, $0x4;
	v10 =	vand.u32 $0xFF0, v16;
	[tilespmem:v26+s13+$0x0] =	vst.idx.add.s32.msk vm7, v2  }
0x13d: {  	v24 =	vand.u32 $0xFF0, v21;
	v16 =	vshrl.u32 v25, $0x10;
	v31 =	vshrl.u32 v20, $0x4;
	[tilespmem:v12+s13+$0x0] =	vst.idx.add.s32.msk vm0, v2  }
0x13e: {  	v26 =	vand.u32 $0xFF0, v22;
	vm0 =	veq.s32 v16, v6;
	v12 =	vshrl.u32 v25, $0x4;
	[tilespmem:v14+s13+$0x0] =	vst.idx.add.s32.msk vm4, v2  }
.Ltmp5:
0x13f: {  	v21 =	vshrl.u32 v37, $0x10;
	v16 =	vshrl.u32 v30, $0x10;
	v14 =	vand.u32 $0xFF0, v27;
	[tilespmem:v11+s13+$0x0] =	vst.idx.add.s32.msk vm3, v2;
	(pc) =	sbr.rel @p0 .LBB2_13-.Ltmp5, $4  }
0x140: {  	vm5 =	veq.s32 v34, v6;
	v11 =	vand.u32 $0xFF0, v12;
	[tilespmem:v18+s13+$0x0] =	vst.idx.add.s32.msk vm1, v2;
	vm1 =	veq.s32 v29, v6  }
0x141: {  	v20 =	vor.u32 v0, v33;
	v25 =	vshrl.u32 v17, $0x10;
	v12 =	vor.u32 v3, v11;
	v27 =	vld [tilespmem:s19+$0x50]  }
0x142: {  	v22 =	vor.u32 v3, v28;
	v11 =	vor.u32 v0, v14;
	v14 =	vand.u32 $0xFF0, v35;
	v29 =	vld [tilespmem:s19+$0xFFFFFF80]  }
0x143: {  	vm6 =	veq.s32 v32, v6;
	v18 =	vand.u32 $0xFF0, v31;
	v14 =	vor.u32 v0, v14;
	v28 =	vld [tilespmem:s19+$0xFFFFFFF0];
	s19 =	sadd.s32 $0x100, s19  }
0x144: {  	_ = 	snop  }
0x145: {  	vm4 =	veq.s32 v23, v6;
	v17 =	vshrl.u32 v15, $0x10  }
0x146: {  	vm7 =	veq.s32 v19, v6;
	v45 =	vor.u32 v0, v24;
	v46 =	vor.u32 v0, v26  }
0x147: {  	v48 =	vshrl.u32 v15, $0x4;
	vm9 =	veq.s32 v21, v6;
	v54 =	vshrl.u32 v13, $0x4  }
0x148: {  	v55 =	vshrl.u32 v13, $0x10;
	v7 =	vor.u32 v3, v7;
	v8 =	vand.u32 $0xFF0, v8  }
0x149: {  	[tilespmem:v22+s13+$0x0] =	vst.idx.add.s32.msk vm5, v2;
	vm14 =	veq.s32 v16, v6;
	vm2 =	vmmov vm2;
	vm15 =	veq.s32 v25, v6  }
0x14a: {  	[tilespmem:v20+s13+$0x0] =	vst.idx.add.s32.msk vm6, v2;
	vm3 =	veq.s32 v17, v6;
	v15 =	vand.u32 $0xFF0, v48;
	v8 =	vor.u32 v0, v8  }
0x14b: {  	[tilespmem:v12+s13+$0x0] =	vst.idx.add.s32.msk vm0, v2;
	v56 =	vand.u32 $0xFF0, v54;
	vm11 =	veq.s32 v55, v6;
	v51 =	vshrl.u32 v27, $0x10  }
0x14c: {  	v52 =	vshrl.u32 v27, $0x4;
	v15 =	vor.u32 v3, v15;
	v19 =	vor.u32 v0, v56;
	[tilespmem:v46+s13+$0x0] =	vst.idx.add.s32.msk vm4, v2  }
0x14d: {  	v47 =	vshrl.u32 v29, $0x10;
	v50 =	vshrl.u32 v29, $0x4;
	vm13 =	veq.s32 v51, v6;
	[tilespmem:v45+s13+$0x0] =	vst.idx.add.s32.msk vm7, v2  }
0x14e: {  	v59 =	vand.u32 $0xFF0, v52;
	v49 =	vshrl.u32 v28, $0x10;
	v53 =	vshrl.u32 v28, $0x4;
	[tilespmem:v7+s13+$0x0] =	vst.idx.add.s32.msk vm9, v2  }
0x14f: {  	v58 =	vand.u32 $0xFF0, v50;
	vm12 =	veq.s32 v47, v6;
	v60 =	vor.u32 v3, v59;
	[tilespmem:v8+s13+$0x0] =	vst.idx.add.s32.msk vm14, v2  }
0x150: {  	vm8 =	veq.s32 v49, v6;
	v28 =	vand.u32 $0xFF0, v53;
	v13 =	vor.u32 v0, v58;
	[tilespmem:v14+s13+$0x0] =	vst.idx.add.s32.msk vm2, v2  }
0x151: {  	v57 =	vor.u32 v3, v28;
	[tilespmem:v11+s13+$0x0] =	vst.idx.add.s32.msk vm15, v2  }
0x152: {  	[tilespmem:v15+s13+$0x0] =	vst.idx.add.s32.msk vm3, v2;
	vm3 =	veq.s32 v9, v6;
	v9 =	vor.u32 v3, v18  }
0x153: {  	v7 =	vor.u32 v3, v10;
	[tilespmem:v19+s13+$0x0] =	vst.idx.add.s32.msk vm11, v2  }
0x154: {  	[tilespmem:v60+s13+$0x0] =	vst.idx.add.s32.msk vm13, v2  }
0x155: {  	[tilespmem:v13+s13+$0x0] =	vst.idx.add.s32.msk vm12, v2  }
0x156: {  	[tilespmem:v57+s13+$0x0] =	vst.idx.add.s32.msk vm8, v2  }
0x157: {  	[tilespmem:v9+s13+$0x0] =	vst.idx.add.s32.msk vm1, v2  }
0x158: {  	s19 =	simm.s32 $0x11FC0;
	[tilespmem:v7+s13+$0x0] =	vst.idx.add.s32.msk vm3, v2  }
0x159: {  	v7 =	vld [tilespmem:s19+$0xFFFFF030]  }
0x15a: {  	v8 =	vld [tilespmem:s19+$0x30];
	_ =	sdelay $0x1  }
0x15b: {  	v9 =	vld [tilespmem:s19+$0xFFFFF020]  }
0x15c: {  	v10 =	vimm.s32 $0x0;
	v11 =	vld [tilespmem:s19+$0x20]  }
0x15d: {  	v12 =	vld [tilespmem:s19+$0xFFFFF010];
	v7 =	vadd.s32 v10, v7  }
0x15e: {  	v5 =	vsub.s32 v4, v5;
	v61 =	vadd.s32 v8, v7  }
0x15f: {  	vm0 =	veq.s32 v10, $0x0;
	v4 =	vld [tilespmem:s19+$0x10];
	vm1 =	vge.s32 v61, v5  }
0x160: {  	[tilespmem:s19+$0xFFFFF030] =	vst v1;
	v8 =	vld [tilespmem:s19+$0xFFFFF000];
	v7 =	vadd.s32 v9, v61;
	vm0 =	vmand vm0, vm1  }
0x161: {  	[tilespmem:s19+$0x30] =	vst v1;
	v9 =	vld [tilespmem:s19+$0x0];
	v7 =	vadd.s32 v11, v7;
	v11 =	vsel vm0, $0x1, v1  }
0x162: {  	[tilespmem:s19+$0xFFFFF020] =	vst v1;
	v12 =	vadd.s32 v12, v7;
	v11 =	vor.u32 v11, v10  }
0x163: {  	s18 =	simm.s32 $0xFF;
	[tilespmem:s19+$0x20] =	vst v1;
	vm2 =	vge.s32 v7, v5;
	v62 =	vsel vm0, v10, v10;
	vm3 =	veq.s32 v11, $0x0  }
0x164: {  	[tilespmem:s19+$0xFFFFF010] =	vst v1;
	v63 =	vsel vm0, s18, v10;
	v4 =	vadd.s32 v4, v12;
	vm2 =	vmand vm3, vm2  }
0x165: {  	[tilespmem:s19+$0x10] =	vst v1;
	vm1 =	vge.s32 v4, v5;
	v8 =	vadd.s32 v8, v4;
	v10 =	vsel vm2, $0x1, v1  }
0x166: {  	s20 =	simm.s32 $0xFE;
	[tilespmem:s19+$0xFFFFF000] =	vst v1;
	v8 =	vadd.s32 v9, v8;
	v9 =	vsel vm2, v61, v62;
	v10 =	vor.u32 v10, v11  }
0x167: {  	[tilespmem:s19+$0x0] =	vst v1;
	s19 =	simm.s32 $0x0;
	vm0 =	vge.s32 v8, v5;
	v11 =	vsel vm2, s20, v63;
	s20 =	simm.s32 $0x11F80;
	vm2 =	veq.s32 v10, $0x0  }
.LBB2_15:
0x168: {  	v12 =	vld [tilespmem:s20+$0xFFFFF030];
	[tilespmem:s20+$0xFFFFF030] =	vst v1;
	s19 =	sadd.s32 $0x4, s19;
	s21 =	sadd.s32 $0xFFFFFFFE, s18;
	vm1 =	vmand vm2, vm1  }
0x169: {  	v13 =	vld [tilespmem:s20+$0x30];
	[tilespmem:s20+$0x30] =	vst v1;
	p0 =	slt.u32 s19, $0xFC;
	v11 =	vsel vm1, s21, v11;
	v7 =	vsel vm1, v7, v9;
	v9 =	vsel vm1, $0x1, v1  }
0x16a: {  	v14 =	vld [tilespmem:s20+$0xFFFFF020];
	[tilespmem:s20+$0xFFFFF020] =	vst v1;
	v9 =	vor.u32 v9, v10  }
0x16b: {  	v10 =	vld [tilespmem:s20+$0x20];
	[tilespmem:s20+$0x20] =	vst v1;
	vm1 =	veq.s32 v9, $0x0  }
0x16c: {  	v15 =	vld [tilespmem:s20+$0xFFFFF010];
	[tilespmem:s20+$0xFFFFF010] =	vst v1;
	vm0 =	vmand vm1, vm0  }
0x16d: {  	s21 =	sadd.s32 $0xFFFFFFFD, s18;
	v12 =	vadd.s32 v8, v12;
	v16 =	vld [tilespmem:s20+$0x10];
	[tilespmem:s20+$0x10] =	vst v1;
	v4 =	vsel vm0, v4, v7;
	v7 =	vsel vm0, $0x1, v1  }
0x16e: {  	v11 =	vsel vm0, s21, v11;
	v12 =	vadd.s32 v13, v12;
	v13 =	vld [tilespmem:s20+$0xFFFFF000];
	[tilespmem:s20+$0xFFFFF000] =	vst v1;
	v9 =	vor.u32 v7, v9  }
0x16f: {  	vm0 =	veq.s32 v9, $0x0;
	vm1 =	vge.s32 v12, v5;
	v7 =	vadd.s32 v14, v12;
	v14 =	vld [tilespmem:s20+$0x0];
	[tilespmem:s20+$0x0] =	vst v1  }
0x170: {  	vm0 =	vmand vm0, vm1;
	v7 =	vadd.s32 v10, v7  }
0x171: {  	v10 =	vsel vm0, v8, v4;
	v4 =	vsel vm0, $0x1, v1;
	v8 =	vadd.s32 v15, v7  }
0x172: {  	vm2 =	vge.s32 v7, v5;
	v15 =	vor.u32 v4, v9;
	v4 =	vadd.s32 v16, v8  }
.Ltmp6:
0x173: {  	s18 =	sadd.s32 $0xFFFFFFFC, s18;
	vm3 =	veq.s32 v15, $0x0;
	vm1 =	vge.s32 v4, v5;
	v8 =	vadd.s32 v13, v4;
	(pc) =	sbr.rel @p0 .LBB2_15-.Ltmp6, $4  }
0x174: {  	v11 =	vsel vm0, s18, v11;
	vm2 =	vmand vm3, vm2;
	v8 =	vadd.s32 v14, v8  }
0x175: {  	s21 =	sadd.s32 $0xFFFFFFFF, s18;
	v9 =	vsel vm2, v12, v10;
	v10 =	vsel vm2, $0x1, v1;
	vm0 =	vge.s32 v8, v5  }
0x176: {  	v11 =	vsel vm2, s21, v11;
	v10 =	vor.u32 v10, v15  }
0x177: {  	s20 =	sadd.s32 $0xFFFFFFC0, s20;
	vm2 =	veq.s32 v10, $0x0  }
0x178: {  	s19 =	simm.s32 $0x80  }
0x179: {  	v12 =	vld [tilespmem:s19+$0xFFFFFFE0]  }
0x17a: {  	vm1 =	vmand vm2, vm1;
	v13 =	vld [tilespmem:s19+$0x60]  }
0x17b: {  	v8 =	vsel vm1, $0x1, v1;
	v15 =	vld [tilespmem:s19+$0x30]  }
0x17c: {  	v16 =	vld [tilespmem:s19+$0xFFFFFFC0];
	v8 =	vor.u32 v8, v10  }
0x17d: {  	s20 =	sadd.s32 $0xFFFFFFFE, s18;
	v18 =	vld [tilespmem:s19+$0x40];
	vm2 =	veq.s32 v8, $0x0  }
0x17e: {  	s31 =	sadd.s32 $0xFFFFFFFD, s18;
	v20 =	vld [tilespmem:s19+$0xFFFFFFB0];
	v8 =	vsel vm1, s20, v11;
	vm0 =	vmand vm2, vm0  }
0x17f: {  	v7 =	vsel vm1, v7, v9;
	v9 =	vshll.u32 v6, $0x8;
	v10 =	vld [tilespmem:s19+$0x70];
	v8 =	vsel vm0, s31, v8  }
0x180: {  	v17 =	vld [tilespmem:s19+$0xFFFFFFD0];
	v6 =	vsel vm0, v4, v7;
	v4 =	vor.u32 v9, v8  }
0x181: {  	v14 =	vld [tilespmem:s19+$0xFFFFFFA0];
	v8 =	vshll.u32 v12, $0x4;
	v9 =	vshll.u32 v13, $0x4;
	v7 =	vshll.u32 v15, $0x4  }
0x182: {  	v11 =	vld [tilespmem:s19+$0x20];
	v30 =	vshrl.u32 v13, $0x8;
	v28 =	vshll.u32 v16, $0x4;
	v23 =	vshrl.u32 v18, $0x8  }
0x183: {  	v27 =	vshrl.u32 v20, $0x8;
	v32 =	vshll.u32 v20, $0x4;
	v7 =	vand.u32 $0xFF0, v7  }
0x184: {  	v21 =	vshll.u32 v10, $0x4;
	v22 =	vand.u32 $0xFF0, v9;
	v25 =	vshrl.u32 v10, $0x8  }
0x185: {  	v10 =	vshrl.u32 v16, $0x8;
	v9 =	vshrl.u32 v17, $0x8;
	v16 =	vshll.u32 v17, $0x4  }
0x186: {  	v17 =	vshll.u32 v18, $0x4;
	v18 =	vshll.u32 v14, $0x4;
	vm1 =	veq.s32 v27, v4  }
0x187: {  	v13 =	vld [tilespmem:s19+$0xFFFFFF90];
	vm6 =	veq.s32 v30, v4;
	v19 =	vshrl.u32 v11, $0x8;
	v11 =	vshll.u32 v11, $0x4  }
0x188: {  	v31 =	vand.u32 $0xFF0, v21;
	vm2 =	veq.s32 v10, v4;
	v10 =	vand.u32 $0xFF0, v16  }
0x189: {  	v26 =	vand.u32 $0xFF0, v17;
	v17 =	vand.u32 $0xFF0, v18;
	v21 =	vshrl.u32 v15, $0x8  }
0x18a: {  	v29 =	vld [tilespmem:s19+$0xFFFFFF80];
	vm5 =	veq.s32 v25, v4;
	v25 =	vshrl.u32 v14, $0x8;
	v20 =	vor.u32 v0, v22  }
0x18b: {  	v15 =	vld [tilespmem:s19+$0x10];
	v14 =	vand.u32 $0xFF0, v28;
	v18 =	vand.u32 $0xFF0, v32;
	v24 =	vand.u32 $0xFF0, v11  }
0x18c: {  	v27 =	vld [tilespmem:s19+$0x50];
	v22 =	vor.u32 v3, v31;
	v16 =	vshrl.u32 v13, $0x8;
	v11 =	vshll.u32 v13, $0x4  }
0x18d: {  	v28 =	vld [tilespmem:s19+$0xFFFFFFF0];
	v14 =	vor.u32 v0, v14;
	vm0 =	veq.s32 v16, v4;
	v11 =	vand.u32 $0xFF0, v11  }
0x18e: {  	s18 =	simm.s32 $0x0;
	v13 =	vld [tilespmem:s19+$0x0];
	s19 =	simm.s32 $0x180;
	v16 =	vshrl.u32 v12, $0x8;
	v12 =	vor.u32 v3, v11;
	v11 =	vor.u32 v0, v17  }
.LBB2_17:
0x18f: {  	v17 =	vld [tilespmem:s19+$0xFFFFFFA0];
	s18 =	sadd.s32 $0x10, s18;
	vm3 =	veq.s32 v25, v4;
	vm9 =	veq.s32 v23, v4;
	vm4 =	vmmov vm2  }
0x190: {  	v23 =	vand.u32 $0xFF0, v8;
	v8 =	vshrl.u32 v15, $0x8;
	vm8 =	veq.s32 v19, v4;
	v25 =	vld [tilespmem:s19+$0xFFFFFF90];
	p0 =	slt.u32 s18, $0xFF0  }
0x191: {  	v19 =	vor.u32 v0, v24;
	v24 =	vor.u32 v0, v26;
	vm7 =	veq.s32 v8, v4;
	v30 =	vld [tilespmem:s19+$0xFFFFFFE0]  }
0x192: {  	v15 =	vshll.u32 v15, $0x4;
	v26 =	vld [tilespmem:s19+$0x70];
	v31 =	vshrl.u32 v29, $0x8;
	v8 =	vshll.u32 v29, $0x4  }
0x193: {  	v15 =	vand.u32 $0xFF0, v15;
	v32 =	vshrl.u32 v27, $0x8;
	v27 =	vshll.u32 v27, $0x4;
	v29 =	vld [tilespmem:s19+$0x20]  }
0x194: {  	v34 =	vor.u32 v3, v15;
	vm2 =	veq.s32 v32, v4;
	v15 =	vand.u32 $0xFF0, v27;
	v33 =	vld [tilespmem:s19+$0x60]  }
0x195: {  	v32 =	vand.u32 $0xFF0, v8;
	v35 =	vshrl.u32 v28, $0x8;
	v36 =	vor.u32 v3, v15;
	v27 =	vld [tilespmem:s19+$0x0]  }
0x196: {  	v38 =	vshll.u32 v13, $0x4;
	v28 =	vshll.u32 v28, $0x4;
	v8 =	vshll.u32 v30, $0x4;
	v37 =	vld [tilespmem:s19+$0x30]  }
0x197: {  	v39 =	vor.u32 v0, v23;
	v23 =	vand.u32 $0xFF0, v28;
	v28 =	vand.u32 $0xFF0, v38;
	v15 =	vld [tilespmem:s19+$0x10]  }
0x198: {  	vm11 =	veq.s32 v21, v4;
	vm10 =	veq.s32 v35, v4;
	[tilespmem:v24+s13+$0x0] =	vst.idx.add.s32.msk vm9, v2  }
0x199: {  	v23 =	vor.u32 v3, v23;
	v21 =	vshll.u32 v33, $0x4;
	[tilespmem:v22+s13+$0x0] =	vst.idx.add.s32.msk vm5, v2  }
0x19a: {  	v24 =	vor.u32 v3, v7;
	v22 =	vshrl.u32 v13, $0x8;
	[tilespmem:v20+s13+$0x0] =	vst.idx.add.s32.msk vm6, v2;
	v13 =	vmov v27  }
0x19b: {  	vm5 =	veq.s32 v16, v4;
	vm6 =	veq.s32 v22, v4;
	v7 =	vshll.u32 v37, $0x4;
	[tilespmem:v19+s13+$0x0] =	vst.idx.add.s32.msk vm8, v2  }
0x19c: {  	v18 =	vor.u32 v3, v18;
	vm8 =	veq.s32 v31, v4;
	v16 =	vld [tilespmem:s19+$0xFFFFFFC0];
	v7 =	vand.u32 $0xFF0, v7  }
0x19d: {  	v22 =	vor.u32 v0, v32;
	v20 =	vld [tilespmem:s19+$0xFFFFFFB0]  }
0x19e: {  	v27 =	vor.u32 v0, v28;
	[tilespmem:v34+s13+$0x0] =	vst.idx.add.s32.msk vm7, v2  }
0x19f: {  	[tilespmem:v24+s13+$0x0] =	vst.idx.add.s32.msk vm11, v2  }
0x1a0: {  	v28 =	vshll.u32 v26, $0x4;
	vm7 =	veq.s32 v9, v4;
	v24 =	vld [tilespmem:s19+$0xFFFFFFD0]  }
0x1a1: {  	v32 =	vshrl.u32 v33, $0x8;
	v33 =	vand.u32 $0xFF0, v21;
	v34 =	vshrl.u32 v26, $0x8;
	v31 =	vld [tilespmem:s19+$0x40]  }
0x1a2: {  	v21 =	vshll.u32 v29, $0x4;
	v19 =	vshrl.u32 v29, $0x8;
	v26 =	vor.u32 v3, v10;
	[tilespmem:v23+s13+$0x0] =	vst.idx.add.s32.msk vm10, v2  }
0x1a3: {  	v28 =	vand.u32 $0xFF0, v28;
	v35 =	vshll.u32 v16, $0x4;
	[tilespmem:v27+s13+$0x0] =	vst.idx.add.s32.msk vm6, v2  }
0x1a4: {  	[tilespmem:v22+s13+$0x0] =	vst.idx.add.s32.msk vm8, v2  }
0x1a5: {  	v10 =	vshrl.u32 v16, $0x8;
	v9 =	vshrl.u32 v24, $0x8;
	v16 =	vshll.u32 v24, $0x4;
	[tilespmem:v36+s13+$0x0] =	vst.idx.add.s32.msk vm2, v2  }
0x1a6: {  	vm2 =	veq.s32 v10, v4;
	v23 =	vshrl.u32 v31, $0x8;
	v22 =	vshll.u32 v31, $0x4;
	[tilespmem:v39+s13+$0x0] =	vst.idx.add.s32.msk vm5, v2  }
0x1a7: {  	v29 =	vshrl.u32 v20, $0x8;
	v27 =	vshll.u32 v17, $0x4;
	v10 =	vand.u32 $0xFF0, v16;
	[tilespmem:v26+s13+$0x0] =	vst.idx.add.s32.msk vm7, v2  }
0x1a8: {  	v24 =	vand.u32 $0xFF0, v21;
	v16 =	vshrl.u32 v25, $0x8;
	v31 =	vshll.u32 v20, $0x4;
	[tilespmem:v12+s13+$0x0] =	vst.idx.add.s32.msk vm0, v2  }
0x1a9: {  	v26 =	vand.u32 $0xFF0, v22;
	vm0 =	veq.s32 v16, v4;
	v12 =	vshll.u32 v25, $0x4;
	[tilespmem:v14+s13+$0x0] =	vst.idx.add.s32.msk vm4, v2  }
.Ltmp7:
0x1aa: {  	v21 =	vshrl.u32 v37, $0x8;
	v16 =	vshrl.u32 v30, $0x8;
	v14 =	vand.u32 $0xFF0, v27;
	[tilespmem:v11+s13+$0x0] =	vst.idx.add.s32.msk vm3, v2;
	(pc) =	sbr.rel @p0 .LBB2_17-.Ltmp7, $4  }
0x1ab: {  	vm5 =	veq.s32 v34, v4;
	v11 =	vand.u32 $0xFF0, v12;
	[tilespmem:v18+s13+$0x0] =	vst.idx.add.s32.msk vm1, v2;
	vm1 =	veq.s32 v29, v4  }
0x1ac: {  	v20 =	vor.u32 v0, v33;
	v25 =	vshrl.u32 v17, $0x8;
	v12 =	vor.u32 v3, v11;
	v27 =	vld [tilespmem:s19+$0x50]  }
0x1ad: {  	v22 =	vor.u32 v3, v28;
	v11 =	vor.u32 v0, v14;
	v14 =	vand.u32 $0xFF0, v35;
	v29 =	vld [tilespmem:s19+$0xFFFFFF80]  }
0x1ae: {  	vm6 =	veq.s32 v32, v4;
	v18 =	vand.u32 $0xFF0, v31;
	v14 =	vor.u32 v0, v14;
	v28 =	vld [tilespmem:s19+$0xFFFFFFF0];
	s19 =	sadd.s32 $0x100, s19  }
0x1af: {  	_ = 	snop  }
0x1b0: {  	vm4 =	veq.s32 v23, v4;
	v17 =	vshrl.u32 v15, $0x8  }
0x1b1: {  	vm7 =	veq.s32 v19, v4;
	v51 =	vor.u32 v0, v26;
	v15 =	vshll.u32 v15, $0x4  }
0x1b2: {  	vm9 =	veq.s32 v21, v4;
	v58 =	vshll.u32 v13, $0x4;
	v13 =	vshrl.u32 v13, $0x8  }
0x1b3: {  	v7 =	vor.u32 v3, v7;
	vm3 =	veq.s32 v17, v4;
	v17 =	vor.u32 v0, v24  }
0x1b4: {  	[tilespmem:v22+s13+$0x0] =	vst.idx.add.s32.msk vm5, v2;
	v8 =	vand.u32 $0xFF0, v8;
	vm14 =	veq.s32 v16, v4;
	vm2 =	vmmov vm2  }
0x1b5: {  	[tilespmem:v20+s13+$0x0] =	vst.idx.add.s32.msk vm6, v2;
	vm15 =	veq.s32 v25, v4;
	v15 =	vand.u32 $0xFF0, v15;
	v8 =	vor.u32 v0, v8  }
0x1b6: {  	[tilespmem:v12+s13+$0x0] =	vst.idx.add.s32.msk vm0, v2;
	v59 =	vand.u32 $0xFF0, v58;
	vm11 =	veq.s32 v13, v4;
	v55 =	vshrl.u32 v27, $0x8  }
0x1b7: {  	v56 =	vshll.u32 v27, $0x4;
	v15 =	vor.u32 v3, v15;
	v19 =	vor.u32 v0, v59;
	[tilespmem:v51+s13+$0x0] =	vst.idx.add.s32.msk vm4, v2  }
0x1b8: {  	v52 =	vshrl.u32 v29, $0x8;
	v54 =	vshll.u32 v29, $0x4;
	v53 =	vshrl.u32 v28, $0x8;
	[tilespmem:v17+s13+$0x0] =	vst.idx.add.s32.msk vm7, v2  }
0x1b9: {  	v57 =	vshll.u32 v28, $0x4;
	v13 =	vand.u32 $0xFF0, v54;
	vm12 =	veq.s32 v52, v4;
	[tilespmem:v7+s13+$0x0] =	vst.idx.add.s32.msk vm9, v2  }
0x1ba: {  	vm8 =	veq.s32 v53, v4;
	v28 =	vand.u32 $0xFF0, v57;
	v13 =	vor.u32 v0, v13;
	[tilespmem:v8+s13+$0x0] =	vst.idx.add.s32.msk vm14, v2  }
0x1bb: {  	vm13 =	veq.s32 v55, v4;
	v61 =	vand.u32 $0xFF0, v56;
	v60 =	vor.u32 v3, v28;
	[tilespmem:v14+s13+$0x0] =	vst.idx.add.s32.msk vm2, v2  }
0x1bc: {  	v17 =	vor.u32 v3, v61;
	[tilespmem:v11+s13+$0x0] =	vst.idx.add.s32.msk vm15, v2  }
0x1bd: {  	[tilespmem:v15+s13+$0x0] =	vst.idx.add.s32.msk vm3, v2;
	vm3 =	veq.s32 v9, v4;
	v9 =	vor.u32 v3, v18  }
0x1be: {  	v7 =	vor.u32 v3, v10;
	[tilespmem:v19+s13+$0x0] =	vst.idx.add.s32.msk vm11, v2  }
0x1bf: {  	[tilespmem:v13+s13+$0x0] =	vst.idx.add.s32.msk vm12, v2  }
0x1c0: {  	[tilespmem:v60+s13+$0x0] =	vst.idx.add.s32.msk vm8, v2  }
0x1c1: {  	[tilespmem:v17+s13+$0x0] =	vst.idx.add.s32.msk vm13, v2  }
0x1c2: {  	[tilespmem:v9+s13+$0x0] =	vst.idx.add.s32.msk vm1, v2  }
0x1c3: {  	s20 =	simm.s32 $0x11FC0;
	[tilespmem:v7+s13+$0x0] =	vst.idx.add.s32.msk vm3, v2  }
0x1c4: {  	v7 =	vld [tilespmem:s20+$0xFFFFF030]  }
0x1c5: {  	v8 =	vld [tilespmem:s20+$0x30];
	_ =	sdelay $0x2  }
0x1c6: {  	v9 =	vld [tilespmem:s20+$0x20]  }
0x1c7: {  	v10 =	vld [tilespmem:s20+$0xFFFFF020]  }
0x1c8: {  	v11 =	vimm.s32 $0x0;
	v7 =	vadd.s32 v7, v8  }
0x1c9: {  	v5 =	vsub.s32 v5, v6;
	v6 =	vadd.s32 v11, v7  }
0x1ca: {  	vm1 =	veq.s32 v11, $0x0;
	v12 =	vld [tilespmem:s20+$0xFFFFF010];
	vm0 =	vge.s32 v6, v5  }
0x1cb: {  	v8 =	vld [tilespmem:s20+$0x10];
	vm0 =	vmand vm1, vm0  }
0x1cc: {  	v9 =	vadd.s32 v10, v9;
	v13 =	vsel vm0, $0x1, v1  }
0x1cd: {  	[tilespmem:s20+$0x20] =	vst v1;
	v15 =	vld [tilespmem:s20+$0xFFFFF000];
	v14 =	vadd.s32 v6, v9;
	v13 =	vor.u32 v13, v11  }
0x1ce: {  	[tilespmem:s20+$0xFFFFF030] =	vst v1;
	v10 =	vld [tilespmem:s20+$0x0];
	vm1 =	vge.s32 v14, v5;
	vm2 =	veq.s32 v13, $0x0  }
0x1cf: {  	[tilespmem:s20+$0x30] =	vst v1;
	vm1 =	vmand vm2, vm1  }
0x1d0: {  	s18 =	simm.s32 $0x11F80;
	[tilespmem:s20+$0xFFFFF020] =	vst v1;
	v12 =	vadd.s32 v12, v8;
	v8 =	vsel vm1, $0x1, v1  }
0x1d1: {  	v17 =	vld [tilespmem:s18+$0xFFFFF030];
	[tilespmem:s18+$0xFFFFF030] =	vst v1;
	v16 =	vsel vm0, v7, v11;
	v7 =	vadd.s32 v14, v12;
	v13 =	vor.u32 v8, v13  }
0x1d2: {  	[tilespmem:s20+$0xFFFFF010] =	vst v1;
	v19 =	vld [tilespmem:s18+$0x30];
	v62 =	vsel vm0, v11, v11;
	vm2 =	vge.s32 v7, v5;
	vm3 =	veq.s32 v13, $0x0  }
0x1d3: {  	[tilespmem:s20+$0xFFFFF000] =	vst v1;
	v8 =	vadd.s32 v15, v10;
	v15 =	vsel vm1, v6, v62;
	v10 =	vld [tilespmem:s18+$0x20];
	vm2 =	vmand vm3, vm2  }
0x1d4: {  	[tilespmem:s18+$0x30] =	vst v1;
	v16 =	vsel vm1, v9, v16;
	v9 =	vsel vm2, v14, v15;
	v14 =	vld [tilespmem:s18+$0xFFFFF020]  }
0x1d5: {  	s19 =	simm.s32 $0xFF;
	[tilespmem:s20+$0x10] =	vst v1;
	v6 =	vadd.s32 v7, v8;
	v63 =	vsel vm2, $0x1, v1  }
0x1d6: {  	s30 =	simm.s32 $0xFE;
	[tilespmem:s20+$0x0] =	vst v1;
	v11 =	vsel vm0, s19, v11;
	vm3 =	vge.s32 v6, v5;
	v15 =	vor.u32 v63, v13  }
0x1d7: {  	s31 =	simm.s32 $0xFD;
	[tilespmem:s18+$0x20] =	vst v1;
	v13 =	vsel vm1, s30, v11;
	v11 =	vsel vm2, v12, v16;
	vm0 =	veq.s32 v15, $0x0  }
0x1d8: {  	s21 =	simm.s32 $0x4;
	s20 =	simm.s32 $0xFF;
	[tilespmem:s18+$0xFFFFF020] =	vst v1;
	v12 =	vadd.s32 v17, v19;
	v13 =	vsel vm2, s31, v13;
	vm0 =	vmand vm0, vm3  }
.LBB2_19:
0x1d9: {  	s21 =	sadd.s32 $0x4, s21;
	v16 =	vadd.s32 v6, v12;
	v14 =	vadd.s32 v14, v10;
	v10 =	vsel vm0, $0x1, v1;
	s19 =	sadd.s32 $0xFFFFFFFC, s19  }
0x1da: {  	s22 =	sadd.s32 $0xFFFFFFFD, s20;
	p0 =	slt.u32 s21, $0xFC;
	vm1 =	vge.s32 v16, v5;
	v17 =	vadd.s32 v16, v14;
	v18 =	vld [tilespmem:s18+$0x10];
	v10 =	vor.u32 v10, v15;
	s20 =	smov.u32 s19  }
0x1db: {  	v13 =	vsel vm0, s22, v13;
	vm2 =	veq.s32 v10, $0x0;
	vm3 =	vge.s32 v17, v5;
	v15 =	vld [tilespmem:s18+$0xFFFFF010];
	[tilespmem:s18+$0x10] =	vst v1  }
0x1dc: {  	v7 =	vsel vm0, v7, v9;
	v8 =	vsel vm0, v8, v11;
	vm1 =	vmand vm2, vm1;
	[tilespmem:s18+$0xFFFFF010] =	vst v1;
	v19 =	vld [tilespmem:s18+$0x0]  }
0x1dd: {  	v9 =	vsel vm1, v12, v8;
	v8 =	vsel vm1, $0x1, v1;
	v11 =	vld [tilespmem:s18+$0xFFFFF000];
	[tilespmem:s18+$0x0] =	vst v1  }
0x1de: {  	v8 =	vor.u32 v8, v10;
	[tilespmem:s18+$0xFFFFF000] =	vst v1  }
0x1df: {  	vm0 =	veq.s32 v8, $0x0  }
0x1e0: {  	v6 =	vsel vm1, v6, v7;
	s18 =	sadd.s32 $0xFFFFFFC0, s18;
	vm0 =	vmand vm0, vm3;
	v12 =	vadd.s32 v15, v18  }
0x1e1: {  	v10 =	vld [tilespmem:s18+$0x20];
	v15 =	vsel vm0, v16, v6;
	v6 =	vsel vm0, $0x1, v1;
	v7 =	vadd.s32 v17, v12  }
0x1e2: {  	v16 =	vld [tilespmem:s18+$0xFFFFF030];
	[tilespmem:s18+$0x20] =	vst v1;
	v18 =	vor.u32 v6, v8;
	vm2 =	vge.s32 v7, v5;
	v8 =	vadd.s32 v11, v19  }
0x1e3: {  	v11 =	vsel vm0, v14, v9;
	[tilespmem:s18+$0xFFFFF030] =	vst v1;
	v19 =	vld [tilespmem:s18+$0x30];
	vm3 =	veq.s32 v18, $0x0;
	v6 =	vadd.s32 v7, v8  }
.Ltmp8:
0x1e4: {  	[tilespmem:s18+$0x30] =	vst v1;
	v14 =	vld [tilespmem:s18+$0xFFFFF020];
	vm2 =	vmand vm3, vm2;
	vm3 =	vge.s32 v6, v5;
	(pc) =	sbr.rel @p0 .LBB2_19-.Ltmp8, $4  }
0x1e5: {  	[tilespmem:s18+$0xFFFFF020] =	vst v1;
	v9 =	vsel vm2, v17, v15;
	v15 =	vsel vm2, $0x1, v1  }
0x1e6: {  	s22 =	sadd.s32 $0xFFFFFFFF, s19;
	v13 =	vsel vm1, s19, v13;
	v15 =	vor.u32 v15, v18  }
0x1e7: {  	v13 =	vsel vm0, s22, v13;
	s22 =	sadd.s32 $0xFFFFFFFE, s19;
	v11 =	vsel vm2, v12, v11;
	vm0 =	veq.s32 v15, $0x0  }
0x1e8: {  	v13 =	vsel vm2, s22, v13;
	v12 =	vadd.s32 v16, v19;
	vm0 =	vmand vm0, vm3  }
0x1e9: {  	v16 =	vsel vm0, $0x1, v1  }
0x1ea: {  	v17 =	vadd.s32 v6, v12;
	v15 =	vor.u32 v16, v15  }
0x1eb: {  	v57 =	vld [tilespmem:s18+$0x10];
	vm1 =	vge.s32 v17, v5;
	vm2 =	veq.s32 v15, $0x0  }
0x1ec: {  	v18 =	vld [tilespmem:s18+$0xFFFFF010];
	vm1 =	vmand vm2, vm1  }
0x1ed: {  	v10 =	vadd.s32 v14, v10;
	v58 =	vsel vm1, $0x1, v1  }
0x1ee: {  	v59 =	vld [tilespmem:s18+$0x0];
	v19 =	vadd.s32 v17, v10;
	v14 =	vor.u32 v58, v15  }
0x1ef: {  	v20 =	vld [tilespmem:s18+$0xFFFFF000];
	v7 =	vsel vm0, v7, v9;
	vm11 =	vge.s32 v19, v5;
	vm3 =	veq.s32 v14, $0x0  }
0x1f0: {  	s20 =	sadd.s32 $0xFFFFFFFD, s20;
	v8 =	vsel vm0, v8, v11;
	v4 =	vshll.u32 v4, $0x8;
	vm2 =	vmand vm3, vm11  }
0x1f1: {  	v13 =	vsel vm0, s20, v13;
	v9 =	vadd.s32 v18, v57;
	v60 =	vsel vm2, $0x1, v1  }
0x1f2: {  	v8 =	vsel vm1, v12, v8;
	v61 =	vadd.s32 v19, v9;
	v14 =	vor.u32 v60, v14  }
0x1f3: {  	s19 =	sadd.s32 $0xFFFFFFFC, s19;
	v6 =	vsel vm1, v6, v7;
	vm12 =	vge.s32 v61, v5;
	vm13 =	veq.s32 v14, $0x0  }
0x1f4: {  	v13 =	vsel vm1, s19, v13;
	v7 =	vadd.s32 v20, v59;
	vm0 =	vmand vm13, vm12  }
0x1f5: {  	s30 =	sadd.s32 $0xFFFFFFFF, s19;
	v62 =	vadd.s32 v61, v7;
	v6 =	vsel vm2, v17, v6;
	v11 =	vsel vm0, $0x1, v1  }
0x1f6: {  	s31 =	sadd.s32 $0xFFFFFFFE, s19;
	vm14 =	vge.s32 v62, v5;
	v63 =	vsel vm2, s30, v13;
	v11 =	vor.u32 v11, v14  }
0x1f7: {  	v8 =	vsel vm2, v10, v8;
	v10 =	vsel vm0, s31, v63;
	vm15 =	veq.s32 v11, $0x0  }
0x1f8: {  	[tilespmem:s18+$0x10] =	vst v1;
	s19 =	sadd.s32 $0xFFFFFFFD, s19;
	v6 =	vsel vm0, v19, v6;
	v8 =	vsel vm0, v9, v8;
	vm1 =	vmand vm15, vm14  }
0x1f9: {  	[tilespmem:s18+$0xFFFFF010] =	vst v1;
	v9 =	vimm.s32 $0x0;
	v10 =	vsel vm1, s19, v10;
	v6 =	vsel vm1, v61, v6  }
0x1fa: {  	[tilespmem:s18+$0x0] =	vst v1;
	v7 =	vsel vm1, v7, v8;
	v4 =	vor.u32 v4, v10;
	v6 =	vsub.s32 v6, v5  }
0x1fb: {  	[tilespmem:s18+$0xFFFFF000] =	vst v1;
	s18 =	simm.s32 $0xFFFFFFF0;
	s19 =	simm.s32 $0x80;
	v8 =	vimm.s32 $0x0;
	v5 =	vxor.u32 $0x80000000, v4;
	v6 =	vadd.s32 v7, v6  }
.LBB2_21:
0x1fc: {  	v7 =	vld [tilespmem:s19+$0xFFFFFF80]  }
0x1fd: {  	v10 =	vld [tilespmem:s19+$0xFFFFFF90]  }
0x1fe: {  	v12 =	vld [tilespmem:s19+$0xFFFFFFA0]  }
0x1ff: {  	v62 =	vld [tilespmem:s19+$0xFFFFFFC0]  }
0x200: {  	v63 =	vld [tilespmem:s19+$0xFFFFFFD0]  }
0x201: {  	v17 =	vld [tilespmem:s19+$0xFFFFFFE0]  }
0x202: {  	v18 =	vld [tilespmem:s19+$0xFFFFFFF0]  }
0x203: {  	vm2 =	vge.s32 v9, v6;
	v27 =	vld [tilespmem:s19+$0x0]  }
0x204: {  	v13 =	vimm.s32 $0x0;
	v33 =	vld [tilespmem:s19+$0x20];
	v11 =	vxor.u32 $0x80000000, v7;
	vm1 =	veq.s32 v7, v4  }
0x205: {  	v35 =	vld [tilespmem:s19+$0x30];
	vm3 =	vlt.s32 v7, $0x0;
	v7 =	vxor.u32 $0xFFFFFFFF, v7;
	vm12 =	veq.s32 v10, v4  }
0x206: {  	vm15 =	vlt.s32 v10, $0x0;
	v15 =	vxor.u32 $0x80000000, v12;
	vm4 =	veq.s32 v12, v4  }
0x207: {  	vm10 =	vlt.s32 v12, $0x0;
	v21 =	vxor.u32 $0x80000000, v62;
	v22 =	vxor.u32 $0x80000000, v63  }
0x208: {  	vm7 =	veq.s32 v63, v4;
	v23 =	vxor.u32 $0xFFFFFFFF, v63;
	v25 =	vxor.u32 $0x80000000, v17  }
0x209: {  	v26 =	vxor.u32 $0xFFFFFFFF, v17;
	v29 =	vxor.u32 $0x80000000, v18;
	v30 =	vxor.u32 $0xFFFFFFFF, v18  }
0x20a: {  	v31 =	vxor.u32 $0xFFFFFFFF, v27;
	v37 =	vxor.u32 $0x80000000, v33;
	v38 =	vxor.u32 $0xFFFFFFFF, v35  }
0x20b: {  	vm0 =	vgt.s32 v11, v5;
	vm2 =	vmand vm2, vm1;
	v7 =	vsel vm3, v11, v7  }
0x20c: {  	v14 =	vld [tilespmem:s19+$0xFFFFFFB0];
	v11 =	vsel vm1, $0x1, v1;
	v61 =	vsel vm12, $0x1, v1;
	vm6 =	vgt.s32 v15, v5  }
0x20d: {  	v24 =	vsel vm7, $0x1, v1;
	vm0 =	vmor vm0, vm2;
	v9 =	vadd.s32 v11, v9  }
0x20e: {  	v11 =	vxor.u32 $0x80000000, v10;
	vm2 =	vlt.s32 v62, $0x0;
	v13 =	vsel vm0, $0xFFFFFFFF, v13  }
0x20f: {  	vm13 =	vgt.s32 v11, v5;
	vm14 =	vge.s32 v9, v6;
	vm0 =	vgt.s32 v21, v5  }
0x210: {  	[tilespmem:$0x1FFD0] =	vst v13;
	vm1 =	vmand vm12, vm14;
	v13 =	vadd.s32 v61, v9;
	v9 =	vxor.u32 $0xFFFFFFFF, v10  }
0x211: {  	v10 =	vimm.s32 $0x0;
	vm12 =	veq.s32 v14, v4;
	vm14 =	vlt.s32 v14, $0x0  }
0x212: {  	vm5 =	vge.s32 v13, v6;
	vm8 =	vmor vm13, vm1;
	v9 =	vsel vm15, v11, v9  }
0x213: {  	v11 =	vsel vm4, $0x1, v1;
	v20 =	vsel vm12, $0x1, v1;
	vm15 =	veq.s32 v62, v4  }
0x214: {  	vm5 =	vmand vm4, vm5;
	v10 =	vsel vm8, $0xFFFFFFFF, v10;
	v13 =	vadd.s32 v11, v13  }
0x215: {  	v11 =	vxor.u32 $0x80000000, v14;
	v14 =	vxor.u32 $0xFFFFFFFF, v14;
	v16 =	vsel vm15, $0x1, v1  }
0x216: {  	v57 =	vld [tilespmem:s19+$0x70];
	[tilespmem:$0x1FFE0] =	vst v10;
	vm9 =	vmor vm6, vm5;
	v10 =	vimm.s32 $0x0;
	vm11 =	vgt.s32 v11, v5  }
0x217: {  	vm13 =	vge.s32 v13, v6;
	v11 =	vsel vm14, v11, v14;
	v13 =	vadd.s32 v20, v13  }
0x218: {  	vm14 =	veq.s32 v17, v4;
	v10 =	vsel vm9, $0xFFFFFFFF, v10;
	vm5 =	vmand vm12, vm13  }
0x219: {  	vm1 =	vge.s32 v13, v6;
	v16 =	vadd.s32 v16, v13;
	vm9 =	vgt.s32 v22, v5  }
0x21a: {  	vm12 =	vlt.s32 v63, $0x0;
	vm13 =	vgt.s32 v25, v5;
	v28 =	vsel vm14, $0x1, v1  }
0x21b: {  	v63 =	vxor.u32 $0x80000000, v57;
	[tilespmem:$0x1FFF0] =	vst v10;
	v10 =	vxor.u32 $0xFFFFFFFF, v12;
	vm3 =	vmor vm11, vm5  }
0x21c: {  	vm4 =	vmand vm15, vm1;
	vm8 =	vge.s32 v16, v6;
	v12 =	vxor.u32 $0xFFFFFFFF, v62  }
0x21d: {  	v13 =	vsel vm12, v22, v23;
	vm1 =	veq.s32 v18, v4;
	v23 =	vxor.u32 $0x80000000, v35  }
0x21e: {  	v10 =	vsel vm10, v15, v10;
	vm8 =	vmand vm7, vm8;
	vm5 =	vmor vm0, vm4  }
0x21f: {  	v12 =	vsel vm2, v21, v12;
	v15 =	vadd.s32 v24, v16;
	vm0 =	vlt.s32 v17, $0x0  }
0x220: {  	vm2 =	vgt.s32 v29, v5;
	v19 =	vsel vm1, $0x1, v1;
	v21 =	vxor.u32 $0x80000000, v27  }
0x221: {  	v20 =	vld [tilespmem:s19+$0x10];
	vm10 =	veq.s32 v27, v4;
	vm4 =	vmor vm9, vm8;
	vm15 =	vge.s32 v15, v6  }
0x222: {  	v14 =	vsel vm0, v25, v26;
	v15 =	vadd.s32 v28, v15;
	vm0 =	vlt.s32 v18, $0x0  }
0x223: {  	vm12 =	vgt.s32 v21, v5;
	v32 =	vsel vm10, $0x1, v1;
	v18 =	vxor.u32 $0xFFFFFFFF, v33  }
0x224: {  	v28 =	vshll.u32 v8, $0x4;
	v47 =	vsel vm5, $0x1, v1;
	vm8 =	vmand vm14, vm15  }
0x225: {  	vm15 =	vge.s32 v15, v6;
	v19 =	vadd.s32 v19, v15;
	v15 =	vsel vm0, v29, v30  }
0x226: {  	v34 =	vxor.u32 $0x80000000, v20;
	v28 =	vor.u32 v0, v28;
	v48 =	vsel vm4, $0x1, v1  }
0x227: {  	vm6 =	vmor vm13, vm8;
	vm7 =	vmand vm1, vm15;
	vm11 =	vge.s32 v19, v6  }
0x228: {  	vm1 =	vlt.s32 v27, $0x0;
	v17 =	vadd.s32 v32, v19;
	vm9 =	vgt.s32 v34, v5  }
0x229: {  	v24 =	vld [tilespmem:s19+$0x50];
	vm13 =	veq.s32 v35, v4;
	vm15 =	vgt.s32 v23, v5;
	v32 =	vsel vm3, $0x1, v1  }
0x22a: {  	vm11 =	vmand vm10, vm11;
	vm8 =	vmor vm2, vm7;
	v16 =	vsel vm1, v21, v31  }
0x22b: {  	v25 =	vld [tilespmem:s19+$0x60];
	vm2 =	veq.s32 v20, v4;
	vm0 =	vge.s32 v17, v6;
	vm1 =	vlt.s32 v20, $0x0  }
0x22c: {  	v20 =	vxor.u32 $0xFFFFFFFF, v20;
	v39 =	vsel vm13, $0x1, v1;
	vm7 =	vmor vm12, vm11  }
0x22d: {  	vm11 =	vmand vm2, vm0;
	v19 =	vsel vm1, v34, v20;
	v36 =	vsel vm2, $0x1, v1  }
0x22e: {  	vm2 =	veq.s32 v33, v4;
	vm0 =	vgt.s32 v37, v5;
	v42 =	vxor.u32 $0x80000000, v24  }
0x22f: {  	v51 =	vsel vm8, $0x1, v1;
	vm9 =	vmor vm9, vm11;
	v17 =	vadd.s32 v36, v17  }
0x230: {  	v22 =	vsel vm2, $0x1, v1;
	v26 =	vxor.u32 $0x80000000, v25;
	v52 =	vsel vm7, $0x1, v1  }
0x231: {  	vm1 =	vge.s32 v17, v6;
	v17 =	vadd.s32 v22, v17;
	v53 =	vsel vm9, $0x1, v1  }
0x232: {  	v22 =	vld [tilespmem:s19+$0x40];
	vm10 =	vmand vm2, vm1;
	vm2 =	vlt.s32 v33, $0x0;
	vm14 =	vge.s32 v17, v6  }
0x233: {  	v17 =	vadd.s32 v39, v17;
	vm14 =	vmand vm13, vm14;
	vm11 =	vmor vm0, vm10  }
0x234: {  	v18 =	vsel vm2, v37, v18;
	vm0 =	vlt.s32 v35, $0x0;
	vm2 =	veq.s32 v24, v4  }
0x235: {  	v35 =	vsel vm6, $0x1, v1;
	vm10 =	vmor vm15, vm14;
	v20 =	vsel vm0, v23, v38  }
0x236: {  	vm0 =	vge.s32 v17, v6;
	v41 =	vsel vm2, $0x1, v1;
	vm15 =	veq.s32 v25, v4  }
0x237: {  	v54 =	vsel vm11, $0x1, v1;
	v27 =	vsel vm15, $0x1, v1;
	vm1 =	veq.s32 v22, v4  }
0x238: {  	v29 =	vld [tilespmem:$0x1FFD0];
	v55 =	vsel vm10, $0x1, v1;
	v21 =	vxor.u32 $0x80000000, v22;
	v40 =	vsel vm1, $0x1, v1  }
0x239: {  	v43 =	vld [tilespmem:$0x1FFE0];
	vm12 =	vmand vm1, vm0;
	vm14 =	vgt.s32 v21, v5;
	v17 =	vadd.s32 v40, v17  }
0x23a: {  	v44 =	vld [tilespmem:$0x1FFF0];
	vm0 =	vgt.s32 v42, v5;
	vm14 =	vmor vm14, vm12;
	vm1 =	vge.s32 v17, v6  }
0x23b: {  	v17 =	vadd.s32 v41, v17;
	v56 =	vsel vm14, $0x1, v1;
	vm13 =	vmand vm2, vm1  }
0x23c: {  	vm2 =	vge.s32 v17, v6;
	vm1 =	vgt.s32 v26, v5;
	v61 =	vadd.s32 v27, v17  }
0x23d: {  	vm2 =	vmand vm15, vm2;
	vm13 =	vmor vm0, vm13;
	vm0 =	vnez.u8 v29  }
0x23e: {  	vm12 =	vmor vm1, vm2;
	v29 =	vsel vm0, $0x1, v1;
	vm2 =	vnez.u8 v43  }
0x23f: {  	vm15 =	vnez.u8 v44;
	v8 =	vadd.s32 v29, v8;
	v29 =	vsel vm2, $0x1, v1  }
0x240: {  	v30 =	vshll.u32 v8, $0x4;
	v8 =	vadd.s32 v29, v8;
	v29 =	vsel vm15, $0x1, v1  }
0x241: {  	v59 =	vsel vm13, $0x1, v1;
	v31 =	vshll.u32 v8, $0x4;
	v8 =	vadd.s32 v29, v8  }
0x242: {  	v30 =	vor.u32 v0, v30;
	v46 =	vshll.u32 v8, $0x4;
	v8 =	vadd.s32 v32, v8  }
0x243: {  	v45 =	vor.u32 v0, v31;
	v33 =	vshll.u32 v8, $0x4;
	v8 =	vadd.s32 v47, v8  }
0x244: {  	v31 =	vor.u32 v0, v46;
	v34 =	vshll.u32 v8, $0x4;
	v8 =	vadd.s32 v48, v8  }
0x245: {  	v33 =	vor.u32 v0, v33;
	v50 =	vshll.u32 v8, $0x4;
	v8 =	vadd.s32 v35, v8  }
0x246: {  	v49 =	vor.u32 v0, v34;
	v36 =	vshll.u32 v8, $0x4;
	v8 =	vadd.s32 v51, v8  }
0x247: {  	[tilespmem:v28+s14+$0x0] =	vst.idx.msk vm0, v7;
	v34 =	vor.u32 v0, v50;
	v35 =	vadd.s32 v52, v8;
	v8 =	vshll.u32 v8, $0x4  }
0x248: {  	[tilespmem:v30+s14+$0x0] =	vst.idx.msk vm2, v9;
	v36 =	vor.u32 v0, v36;
	v7 =	vor.u32 v0, v8;
	v8 =	vshll.u32 v35, $0x4  }
0x249: {  	v62 =	vsel vm12, $0x1, v1;
	[tilespmem:v45+s14+$0x0] =	vst.idx.msk vm15, v10;
	v9 =	vadd.s32 v53, v35;
	v8 =	vor.u32 v0, v8  }
0x24a: {  	v10 =	vshll.u32 v9, $0x4;
	v9 =	vadd.s32 v54, v9;
	[tilespmem:v33+s14+$0x0] =	vst.idx.msk vm5, v12;
	vm5 =	veq.s32 v57, v4  }
0x24b: {  	[tilespmem:v31+s14+$0x0] =	vst.idx.msk vm3, v11;
	v10 =	vor.u32 v0, v10;
	v11 =	vadd.s32 v55, v9;
	v9 =	vshll.u32 v9, $0x4  }
0x24c: {  	[tilespmem:v49+s14+$0x0] =	vst.idx.msk vm4, v13;
	v58 =	vadd.s32 v56, v11;
	v9 =	vor.u32 v0, v9;
	v11 =	vshll.u32 v11, $0x4  }
0x24d: {  	[tilespmem:v34+s14+$0x0] =	vst.idx.msk vm6, v14;
	vm6 =	vge.s32 v61, v6;
	v60 =	vadd.s32 v59, v58;
	v12 =	vshll.u32 v58, $0x4  }
0x24e: {  	v11 =	vor.u32 v0, v11;
	[tilespmem:v36+s14+$0x0] =	vst.idx.msk vm8, v15;
	vm8 =	vgt.s32 v63, v5;
	vm1 =	vmand vm5, vm6  }
0x24f: {  	v12 =	vor.u32 v0, v12;
	v17 =	vadd.s32 v62, v60;
	[tilespmem:v7+s14+$0x0] =	vst.idx.msk vm7, v16;
	v7 =	vshll.u32 v60, $0x4  }
0x250: {  	s18 =	sadd.s32 $0x10, s18;
	vm1 =	vmor vm8, vm1;
	[tilespmem:v8+s14+$0x0] =	vst.idx.msk vm9, v19;
	v7 =	vor.u32 v0, v7;
	v8 =	vshll.u32 v17, $0x4  }
0x251: {  	p0 =	slt.u32 s18, $0xFF0;
	vm9 =	vlt.s32 v22, $0x0;
	[tilespmem:v10+s14+$0x0] =	vst.idx.msk vm11, v18;
	v10 =	vxor.u32 $0xFFFFFFFF, v22;
	v8 =	vor.u32 v0, v8  }
.Ltmp9:
0x252: {  	vm11 =	vlt.s32 v24, $0x0;
	[tilespmem:v9+s14+$0x0] =	vst.idx.msk vm10, v20;
	v9 =	vsel vm9, v21, v10;
	v10 =	vxor.u32 $0xFFFFFFFF, v24;
	(pc) =	sbr.rel @p0 .LBB2_21-.Ltmp9, $4  }
0x253: {  	[tilespmem:v11+s14+$0x0] =	vst.idx.msk vm14, v9;
	v9 =	vsel vm11, v42, v10;
	vm14 =	vlt.s32 v25, $0x0;
	v10 =	vxor.u32 $0xFFFFFFFF, v25  }
0x254: {  	vm15 =	vlt.s32 v57, $0x0;
	[tilespmem:v12+s14+$0x0] =	vst.idx.msk vm13, v9;
	v9 =	vsel vm14, v26, v10;
	v10 =	vxor.u32 $0xFFFFFFFF, v57  }
0x255: {  	[tilespmem:v7+s14+$0x0] =	vst.idx.msk vm12, v9;
	v7 =	vsel vm15, v63, v10;
	v9 =	vsel vm1, $0x1, v1;
	v10 =	vsel vm5, $0x1, v1  }
0x256: {  	s19 =	sadd.s32 $0x100, s19;
	[tilespmem:v8+s14+$0x0] =	vst.idx.msk vm1, v7;
	v8 =	vadd.s32 v9, v17;
	v9 =	vadd.s32 v10, v61  }
0x257: {  	s17 =	sadd.s32 s8, s17;
	s16 =	sadd.s32 $0x1, s16  }
0x258: {  	s17 =	sshrl.u32 s17, $0x3;
	p0 =	sne.s32 s16, $0x8  }
.Ltmp10:
0x259: {  	s17 =	sadd.s32 s4, s17;
	(pc) =	sbr.rel @p0 .LBB2_4-.Ltmp10, $4  }
0x25a: {  	[hbm4b:s17+s10] =	stream.strided.scatter [tilespmem:s14], [sflag:$0x1], $0x800, s11, s10, $0x38;
	[tilespmem:$0x12800] =	vst v63  }
0x25b: {  	_ =	swait.ge [sflag:s12], $0x800  }
0x25c: {  	[sflag:s12] =	ssyncset.done $0x0  }
0x25d: {  	[sflag:s12] =	ssyncadd.s32 $0xFFFFF800  }
0x25e: {  	s15 =	sadd.s32 $0x1, s15  }
0x25f: {  	p0 =	sne.s32 s15, s9  }
.Ltmp11:
0x260: {  	_ = 	snop;
	(pc) =	sbr.rel @p0 .LBB2_1-.Ltmp11, $1  }
0x261: {  	_ =	sdelay $0x3  }
0x262: {  	_ =	sfence.sel $0x180000  }
0x263: {  	[bflag:$0x0] =	sbarrier.arrive $0xFFFF  }
0x264: {  	p0 =	sne.s32 s2, $0x0;
	_ =	strace $0x9000004A  }
0x265: {  	s0 =	sadd.s32 @!p0 $0x100000, s0;
	[bflag:$0x2] =	sbarrier.arrive $0xFFFF  }
0x266: {  	[sflag:s0] =	ssyncadd.tile.s32 @!p0 $0x1;
	_ =	shalt  }
.Lfunc_end2:
_tile_overlayer_lowered:
.L_overlay_start_2:
0x267: {  	(tag) =	ssettag $0x2  }
0x268: {  	s0 =	rddreg [dreg:$0x0];
	s2 =	stileid.u32  }
0x269: {  	s1 =	rddreg [dreg:$0x1];
	p0 =	sne.s32 s2, $0x0  }
0x26a: {  	s3 =	rddreg [dreg:$0x2];
	[bflag:$0x3] =	sbarrier.arrive $0xFFFF;
	s2 =	simm.s32 @!p0 $0x1C01  }
0x26b: {  	[timem:s3], [sflag:s2] =	dma.local @!p0 [hbm:s0], s1  }
0x26c: {  	s0 =	simm.s32 @!p0 $0x1  }
0x26d: {  	_ =	swait.ge @!p0 [sflag:s0], s1  }
0x26e: {  	s1 =	ssub.s32 @!p0 $0x0, s1;
	[sflag:s0] =	ssyncset.done @!p0 $0x0  }
0x26f: {  	[sflag:s0] =	ssyncadd.s32 @!p0 s1  }
0x270: {  	[bflag:$0x3] =	sbarrier.arrive $0xFFFF  }
0x271: {  	_ =	shalt  }

// kernel: sparse-core-data-format-call.cloned.1.call-start
scs
called_computation_lowered:
.L_overlay_start_0:
0x0: {  	s2 =	sld [smem:$0x3FD9]  }
0x1: {  	s3 =	sld [smem:$0x3FFE];
	_ =	sdelay $0x1  }
0x2: {  	s1 =	srdreg.scid  }
0x3: {  	s0 =	sand.u32 $0x1, s1  }
0x4: {  	s18 =	sshll.u32 s0, $0xA;
	s2 =	sadd.s32 s3, s2  }
0x5: {  	s2 =	sadd.s32 s2, s18  }
0x6: {  	[smem:$0x3FC7] =	sst s2  }
0x7: {  	_ = 	snop  }
0x8: {  	s2 =	sld [smem:$0x3FC9];
	(tm) =	ssettm $0x1  }
0x9: {  	s19 =	sld [smem:$0x3FFB];
	_ =	sdelay $0x3  }
0xa: {  	_ =	strace s19  }
0xb: {  	s3 =	sld [smem:$0x3FFC];
	_ =	sdelay $0x3  }
0xc: {  	_ =	strace s3  }
0xd: {  	s3 =	sld [smem:$0x3FFD];
	_ =	sdelay $0x3  }
0xe: {  	_ =	strace s3  }
0xf: {  	_ =	strace $0x8FFFFFFF  }
0x10: {  	s20 =	sld [smem:$0x3FDB];
	_ =	sdelay $0x1  }
0x11: {  	s4 =	simm.s32 $_scs_section_size  }
0x12: {  	s5 =	simm.s32 $_size__tile_overlayer_lowered;
	s6 =	simm.s32 $_tile_overlayer_lowered  }
0x13: {  	s23 =	simm.s32 $0x1BFF;
	s22 =	sshll.u32 s6, $0x1;
	s3 =	sadd.s32 s4, s20  }
0x14: {  	s7 =	simm.s32 $0x0;
	s21 =	sshll.u32 s5, $0x1;
	s5 =	sadd.s32 s22, s3  }
0x15: {  	[timem:s7], [sflag:s23] =	dma.local [hbm:s5], s21  }
0x16: {  	_ =	swait.ge [sflag:s23], s21  }
0x17: {  	s4 =	ssub.s32 $0x0, s21;
	[sflag:s23] =	ssyncset.done $0x0  }
0x18: {  	[sflag:s23] =	ssyncadd.s32 s4;
	_ =	sdelay $0x1  }
0x19: {  	s24 =	simm.s32 $0x1B8B  }
0x1a: {  	_ =	swait.ge [sflag:s24], $0x1  }
0x1b: {  	[sflag:s24] =	ssyncset.done $0x0  }
0x1c: {  	s26 =	simm.s32 $0x1B8E;
	s25 =	sld [smem:$0x3FFE];
	[sflag:s24] =	ssyncadd.s32 $0xFFFFFFFF  }
0x1d: {  	s27 =	simm.s32 $execute0_lowered;
	[smem:$0x3FD2] =	sst s26  }
0x1e: {  	s5 =	sshll.u32 s27, $0x1;
	_ =	strace $0x80000046;
	[dreg:$0x1] =	wrdreg $0xFFFFFFFF  }
0x1f: {  	s28 =	simm.s32 $_size_execute0_lowered;
	s3 =	sadd.s32 s3, s5;
	[dreg:$0x0] =	wrdreg $0x0  }
0x20: {  	s5 =	sshll.u32 s28, $0x1;
	[dreg:$0x2] =	wrdreg s3  }
0x21: {  	[dreg:$0x3] =	wrdreg s5  }
0x22: {  	[dreg:$0x4] =	wrdreg $0xC0  }
0x23: {  	_ =	task [dreg:s7], $0x5FFFF  }
0x24: {  	[dreg:$0x1] =	wrdreg $0xFFFFFFFF  }
0x25: {  	[dreg:$0x0] =	wrdreg $0x60  }
0x26: {  	[dreg:$0x2] =	wrdreg s2  }
0x27: {  	[dreg:$0x3] =	wrdreg s25  }
0x28: {  	[dreg:$0x4] =	wrdreg $0x9  }
0x29: {  	_ =	task.clear_ibuf [dreg:s7], $0x5FFFF;
	_ =	strace $0x90000046  }
0x2a: {  	s29 =	simm.s32 $0x9;
	_ =	strace $0x80000048  }
0x2b: {  	_ =	swait.ge [sflag:s29], $0x1  }
0x2c: {  	[sflag:s29] =	ssyncadd.s32 $0xFFFFFFFF  }
0x2d: {  	_ =	strace $0x90000048  }
0x2e: {  	_ =	sfence  }
0x2f: {  	s30 =	sld [smem:$0x0];
	_ =	sdelay $0x2  }
0x30: {  	s31 =	sshll.u32 s1, $0xD;
	s1 =	sshrl.u32 s1, $0x2  }
0x31: {  	s3 =	sand.u32 $0x4000, s31;
	s1 =	sadd.s32 s1, s30  }
0x32: {  	s0 =	sor.u32 s3, s0;
	s1 =	sshll.u32 s1, $0x11  }
0x33: {  	s0 =	sor.u32 s1, s0  }
0x34: {  	s0 =	sadd.s32 $0x8F2B, s0  }
0x35: {  	[sflag:s0] =	ssyncadd.remote.s32 $0x1  }
0x36: {  	_ =	sfence.sel $0xFFFF  }
0x37: {  	[dreg:$0x0] =	wrdreg $0xFFFFFFFF;
	(pc) =	sbr.abs _section_cstart, $3  }
0x38: {  	[dreg:$0x1] =	wrdreg $0xFFFFFFFF  }
0x39: {  	_ =	task.clear_ibuf [dreg:s7], $0x2FFFF;
	_ =	strace $0x9FFFFFFF  }
0x3a: {  	(tm) =	ssettm $0x7FFFFFFF  }
0x3b: {  	_ =	shalt  }
tec
execute0_lowered:
.L_overlay_start_1:
0x0: {  	(tag) =	ssettag $0x1  }
0x1: {  	s0 =	srdreg.scid  }
0x2: {  	s1 =	sshll.u32 s0, $0x4  }
0x3: {  	s2 =	rddreg [dreg:$0x0];
	s0 =	stileid.u32;
	s1 =	sand.u32 $0x10, s1  }
0x4: {  	s4 =	rddreg [dreg:$0x1];
	s7 =	simm.s32 $0x1;
	s1 =	sor.u32 s0, s1  }
0x5: {  	s8 =	simm.s32 $0x2;
	s9 =	simm.s32 $0x0;
	s3 =	sshll.u32 s1, $0x1  }
0x6: {  	s12 =	simm.s32 $0x0;
	s11 =	simm.s32 $0x0;
	s6 =	ssub.s32 $0x800, s3  }
.Ltmp0:
0x7: {  	s4 =	sadd.s32 $0x800, s4;
	s5 =	sand.u32 $0x3E, s6;
	(pc) =	sbr.rel .LBB1_1-.Ltmp0, $4  }
0x8: {  	s1 =	rddreg [dreg:$0x2];
	_ =	strace $0x80000047;
	p0 =	sne.s32 s5, $0x0  }
0x9: {  	s6 =	sshrl.u32 s6, $0x6;
	s5 =	simm.s32 $0x1;
	s7 =	simm.s32 @!p0 $0x0  }
0xa: {  	s10 =	smov.u32 s3;
	[sflag:s5] =	ssyncpa.u1 $0x0;
	s6 =	sadd.s32 s7, s6  }
0xb: {  	[sflag:s8] =	ssyncpa.u1 $0x0;
	s8 =	simm.s32 $0x0;
	s7 =	sadd.s32 $0x1, s6  }
.LBB1_9:
0xc: {  	s14 =	sadd.s32 $0x40, s10  }
0xd: {  	p1 =	sgt.s32 s14, $0x7FF  }
0xe: {  	s14 =	smov.u32 @p1 s3;
	p1 =	sne.s32 s11, s7  }
.Ltmp1:
0xf: {  	p0 =	slt.u32 s11, $0x2;
	(pc) =	sbr.rel @!p1 .LBB1_10-.Ltmp1, $4  }
0x10: {  	s13 =	simm.s32 @!p0 $0x2  }
0x11: {  	s15 =	sadd.s32 $0x1, s11;
	_ =	swait.ge @!p0 [sflag:s13], $0x4000  }
0x12: {  	s12 =	smov.u32 s10;
	s9 =	sadd.s32 $0x4000, s9;
	[sflag:s13] =	ssyncset.done @!p0 $0x0  }
0x13: {  	s11 =	smov.u32 s15;
	s10 =	smov.u32 s14;
	[sflag:s13] =	ssyncadd.s32 @!p0 $0xFFFFC000  }
.LBB1_1:
0x14: {  	p0 =	sge.u32 s11, s6  }
0x15: {  	s13 =	sxor.u32 @!p0 $0xFFFFFFFF, s11  }
0x16: {  	s31 =	sadd.s32 $0xFFFFFFFF, s11;
	s14 =	sshll.u32 @!p0 s10, $0xA;
	s13 =	sshll.u32 @!p0 s13, $0xE  }
0x17: {  	s15 =	simm.s32 @!p0 $0x0;
	s14 =	sadd.s32 @!p0 s2, s14;
	s13 =	sand.u32 @!p0 $0x4000, s13  }
0x18: {  	[tilespmem:s13], [sflag:$0x1] =	stream.linear.gather @!p0 [hbm4b:s14+s15], $0x4000, $0x38;
	[tilespmem:$0x10000] =	vst v63  }
0x19: {  	p0 =	sge.u32 s31, s6  }
.Ltmp2:
0x1a: {  	_ = 	snop;
	(pc) =	sbr.rel @p0 .LBB1_9-.Ltmp2, $1  }
0x1b: {  	_ =	sdelay $0x3  }
0x1c: {  	s13 =	sshll.u32 s9, $0x2  }
0x1d: {  	_ =	swait.ge [sflag:s5], $0x4000;
	s14 =	sshll.u32 s11, $0xE;
	s16 =	simm.s32 $0x0  }
0x1e: {  	p1 =	por $0x1, $0x1;
	s13 =	sand.u32 $0x10000, s13;
	[sflag:s5] =	ssyncset.done $0x0  }
0x1f: {  	s14 =	sand.u32 $0x4000, s14;
	s15 =	sshrl.u32 s13, $0x2;
	[sflag:s5] =	ssyncadd.s32 $0xFFFFC000  }
0x20: {  	s13 =	sor.u32 $0x8000, s14;
	s14 =	sadd.s32 $0x8040, s15;
	s15 =	sadd.s32 $0x40, s15  }
.LBB1_3:
0x21: {  	s16 =	sshll.u32 s16, $0x2  }
0x22: {  	p0 =	por p1, p1;
	s17 =	sshra.s32 s16, $0x2  }
0x23: {  	s18 =	simm.s32 $0x0;
	s16 =	sadd.s32 s17, s14;
	s17 =	sadd.s32 s17, s15  }
.LBB1_4:
0x24: {  	v0 =	vmov s17;
	_ =	sdelay $0x3  }
0x25: {  	s20 =	simm.s32 $0x0  }
0x26: {  	v6 =	vld.idx.msk [tilespmem:v0+s20+$0x30 ss:$0x1], $0xffff  }
0x27: {  	v7 =	vld.idx.msk [tilespmem:v0+s20+$0xFFFFFFC0 ss:$0x1], $0xffff  }
0x28: {  	v5 =	vld.idx.msk [tilespmem:v0+s20+$0xFFFFFFD0 ss:$0x1], $0xffff  }
0x29: {  	v4 =	vld.idx.msk [tilespmem:v0+s20+$0xFFFFFFE0 ss:$0x1], $0xffff  }
0x2a: {  	v3 =	vld.idx.msk [tilespmem:v0+s20+$0xFFFFFFF0 ss:$0x1], $0xffff  }
0x2b: {  	v1 =	vld.idx.msk [tilespmem:v0+s20+$0x0 ss:$0x1], $0xffff  }
0x2c: {  	v2 =	vld.idx.msk [tilespmem:v0+s20+$0x10 ss:$0x1], $0xffff;
	[tilespmem:s16+$0x30] =	vst v6  }
0x2d: {  	s19 =	simm.s32 $0x80;
	s21 =	simm.s32 $0x400;
	[tilespmem:s16+$0xFFFFFFC0] =	vst v7;
	v6 =	vld.idx.msk [tilespmem:v0+s20+$0x20 ss:$0x1], $0xffff;
	s20 =	smov.u32 s16  }
.LBB1_5:
0x2e: {  	p1 =	sne.s32 s21, $0xE00;
	v7 =	vld.idx.msk [tilespmem:v0+s19+$0x30 ss:$0x1], $0xffff;
	[tilespmem:s20+$0xFFFFFFD0] =	vst v5  }
0x2f: {  	v8 =	vld.idx.msk [tilespmem:v0+s19+$0xFFFFFFC0 ss:$0x1], $0xffff;
	[tilespmem:s20+$0xFFFFFFE0] =	vst v4  }
0x30: {  	v5 =	vld.idx.msk [tilespmem:v0+s19+$0xFFFFFFD0 ss:$0x1], $0xffff;
	[tilespmem:s20+$0xFFFFFFF0] =	vst v3  }
.Ltmp3:
0x31: {  	v4 =	vld.idx.msk [tilespmem:v0+s19+$0xFFFFFFE0 ss:$0x1], $0xffff;
	[tilespmem:s20+$0x0] =	vst v1;
	(pc) =	sbr.rel @p1 .LBB1_5-.Ltmp3, $4  }
0x32: {  	v3 =	vld.idx.msk [tilespmem:v0+s19+$0xFFFFFFF0 ss:$0x1], $0xffff;
	[tilespmem:s20+$0x10] =	vst v2  }
0x33: {  	v1 =	vld.idx.msk [tilespmem:v0+s19+$0x0 ss:$0x1], $0xffff;
	[tilespmem:s20+$0x20] =	vst v6;
	s20 =	sadd.s32 $0x400, s20  }
0x34: {  	v2 =	vld.idx.msk [tilespmem:v0+s19+$0x10 ss:$0x1], $0xffff;
	[tilespmem:s20+$0x30] =	vst v7  }
0x35: {  	[tilespmem:s20+$0xFFFFFFC0] =	vst v8;
	v6 =	vld.idx.msk [tilespmem:v0+s19+$0x20 ss:$0x1], $0xffff;
	s19 =	sshra.s32 s21, $0x2;
	s21 =	sadd.s32 $0x200, s21  }
0x36: {  	_ =	sdelay $0x2  }
0x37: {  	[tilespmem:s20+$0xFFFFFFD0] =	vst v5  }
0x38: {  	v56 =	vld.idx.msk [tilespmem:v0+s19+$0x30 ss:$0x1], $0xffff;
	[tilespmem:s20+$0xFFFFFFE0] =	vst v4  }
0x39: {  	v57 =	vld.idx.msk [tilespmem:v0+s19+$0xFFFFFFC0 ss:$0x1], $0xffff;
	[tilespmem:s20+$0xFFFFFFF0] =	vst v3  }
0x3a: {  	v58 =	vld.idx.msk [tilespmem:v0+s19+$0xFFFFFFD0 ss:$0x1], $0xffff;
	[tilespmem:s20+$0x0] =	vst v1  }
0x3b: {  	v59 =	vld.idx.msk [tilespmem:v0+s19+$0xFFFFFFE0 ss:$0x1], $0xffff;
	[tilespmem:s20+$0x10] =	vst v2  }
0x3c: {  	v60 =	vld.idx.msk [tilespmem:v0+s19+$0xFFFFFFF0 ss:$0x1], $0xffff;
	s31 =	sadd.s32 $0x400, s20;
	[tilespmem:s20+$0x20] =	vst v6  }
0x3d: {  	v61 =	vld.idx.msk [tilespmem:v0+s19+$0x0 ss:$0x1], $0xffff;
	[tilespmem:s31+$0x30] =	vst v56  }
0x3e: {  	v62 =	vld.idx.msk [tilespmem:v0+s19+$0x10 ss:$0x1], $0xffff;
	s18 =	sadd.s32 $0x1, s18;
	[tilespmem:s31+$0xFFFFFFC0] =	vst v57  }
0x3f: {  	v63 =	vld.idx.msk [tilespmem:v0+s19+$0x20 ss:$0x1], $0xffff;
	p1 =	sne.s32 s18, $0x8;
	[tilespmem:s31+$0xFFFFFFD0] =	vst v58  }
.Ltmp4:
0x40: {  	[tilespmem:s31+$0xFFFFFFE0] =	vst v59;
	(pc) =	sbr.rel @p1 .LBB1_4-.Ltmp4, $4  }
0x41: {  	[tilespmem:s31+$0xFFFFFFF0] =	vst v60  }
0x42: {  	[tilespmem:s31+$0x0] =	vst v61  }
0x43: {  	[tilespmem:s31+$0x10] =	vst v62  }
0x44: {  	s16 =	sadd.s32 $0x80, s16;
	s17 =	sadd.s32 $0x400, s17;
	[tilespmem:s31+$0x20] =	vst v63  }
.Ltmp5:
0x45: {  	(pc) =	sbr.rel @p0 .LBB1_3-.Ltmp5, $2  }
0x46: {  	_ =	sdelay $0x2  }
0x47: {  	s16 =	simm.s32 $0x2000;
	p1 =	por $0x0, $0x0  }
.Ltmp6:
0x48: {  	(pc) =	sbr.rel .LBB1_9-.Ltmp6, $4  }
0x49: {  	_ = 	snop  }
0x4a: {  	s12 =	sshll.u32 s12, $0xA  }
0x4b: {  	s12 =	sadd.s32 s4, s12  }
0x4c: {  	[hbm4b:s12+s8] =	stream.linear.scatter [tilespmem:s13], [sflag:$0x2], $0x4000, $0x38;
	[tilespmem:$0x10000] =	vst v63  }
.LBB1_10:
0x4d: {  	_ =	sfence.sel $0x180000  }
0x4e: {  	s2 =	simm.s32 $0x1;
	[bflag:$0x0] =	sbarrier.arrive $0xFFFF  }
0x4f: {  	s31 =	simm.s32 $0x2;
	[sflag:s2] =	ssyncpa.u1 $0x1  }
0x50: {  	[sflag:s31] =	ssyncpa.u1 $0x1  }
0x51: {  	p0 =	sne.s32 s0, $0x0;
	_ =	strace $0x90000047  }
0x52: {  	s0 =	sadd.s32 @!p0 $0x100000, s1;
	[bflag:$0x2] =	sbarrier.arrive $0xFFFF  }
0x53: {  	[sflag:s0] =	ssyncadd.tile.s32 @!p0 $0x1;
	_ =	shalt  }
.Lfunc_end1:
_tile_overlayer_lowered:
.L_overlay_start_2:
0x54: {  	(tag) =	ssettag $0x2  }
0x55: {  	s0 =	rddreg [dreg:$0x0];
	s2 =	stileid.u32  }
0x56: {  	s1 =	rddreg [dreg:$0x1];
	p0 =	sne.s32 s2, $0x0  }
0x57: {  	s3 =	rddreg [dreg:$0x2];
	[bflag:$0x3] =	sbarrier.arrive $0xFFFF;
	s2 =	simm.s32 @!p0 $0x1C01  }
0x58: {  	[timem:s3], [sflag:s2] =	dma.local @!p0 [hbm:s0], s1  }
0x59: {  	s0 =	simm.s32 @!p0 $0x1  }
0x5a: {  	_ =	swait.ge @!p0 [sflag:s0], s1  }
0x5b: {  	s1 =	ssub.s32 @!p0 $0x0, s1;
	[sflag:s0] =	ssyncset.done @!p0 $0x0  }
0x5c: {  	[sflag:s0] =	ssyncadd.s32 @!p0 s1  }
0x5d: {  	[bflag:$0x3] =	sbarrier.arrive $0xFFFF  }
0x5e: {  	_ =	shalt  }

</sc_bundles>
